<compile_context>
chip_gen: v7x
topology: tpu7x:2x2x1
jax: 0.10.2.dev20260603
libtpu: 0.0.44.dev20260713+nightly
codegen_flags: <defaults>
</compile_context>

<pallas_src>
import functools

import jax
import jax.numpy as jnp
from jax import lax
from jax.experimental import pallas as pl
from jax.experimental.pallas import tpu as pltpu
from jax.experimental.pallas import tpu_sc as plsc

B = 16384
D = 128
NC = 2
NS = 16
NW = NC * NS
HB = B // 2
BPW = HB // NW
CH = 64
NCHUNK = BPW // CH
BLK = 2048


def _gather_sc(idx4, emb_table):
    mesh = plsc.VectorSubcoreMesh(core_axis_name="c", subcore_axis_name="s")

    @functools.partial(
        pl.kernel,
        mesh=mesh,
        out_type=jax.ShapeDtypeStruct((HB, D), jnp.int32),
        scratch_types=[
            pltpu.VMEM((2 * NCHUNK, CH), jnp.int32),
            pltpu.VMEM((2 * NCHUNK, CH, D), jnp.float32),
            pltpu.VMEM((CH, D), jnp.int32),
            pltpu.SemaphoreType.DMA,
            pltpu.SemaphoreType.DMA,
        ],
    )
    def k(idx_hbm, table_hbm, out_hbm, idx_v, rows_v, pw_v, sem, osem):
        wid = lax.axis_index("s") * NC + lax.axis_index("c")
        idx_copies = [
            pltpu.async_copy(
                idx_hbm.at[pl.ds((s % 2) * HB + wid * BPW + (s // 2) * CH,
                                 CH)],
                idx_v.at[s],
                osem,
            )
            for s in range(2 * NCHUNK)
        ]
        for ic in idx_copies:
            ic.wait()
        copies = [
            pltpu.async_copy(table_hbm.at[idx_v.at[s]], rows_v.at[s], sem)
            for s in range(2 * NCHUNK)
        ]
        half = jnp.full((16,), 0x8000, jnp.int32)
        himask = jnp.full((16,), -65536, jnp.int32)
        out_copy = None
        for c in range(NCHUNK):
            copies[2 * c].wait()
            copies[2 * c + 1].wait()
            if out_copy is not None:
                out_copy.wait()

            def pack_row(r, _):
                for g in range(D // 16):
                    a = lax.bitcast_convert_type(
                        rows_v[2 * c, r, pl.ds(16 * g, 16)], jnp.int32)
                    b = lax.bitcast_convert_type(
                        rows_v[2 * c + 1, r, pl.ds(16 * g, 16)], jnp.int32)
                    w = lax.shift_right_logical(a + half, 16) | (
                        (b + half) & himask)
                    pw_v[r, pl.ds(16 * g, 16)] = w
                return ()

            lax.fori_loop(0, CH, pack_row, ())
            out_copy = pltpu.async_copy(
                pw_v,
                out_hbm.at[pl.ds(wid * BPW + c * CH, CH)],
                osem,
            )
        out_copy.wait()

    return k(idx4, emb_table)


def _mlp_body(x_ref, w1_ref, s1_ref, c1_ref, w2_ref, b2_ref, o_ref):
    xi = x_ref[...]
    lo = lax.bitcast_convert_type(xi << 16, jnp.float32)
    hi = lax.bitcast_convert_type(xi & jnp.int32(-65536), jnp.float32)
    for sel, x in ((0, lo), (1, hi)):
        m = jnp.mean(x, axis=-1, keepdims=True)
        q = jnp.mean(x * x, axis=-1, keepdims=True)
        rstd = lax.rsqrt(q - m * m + 1e-5)
        p = jnp.dot(x, w1_ref[...], preferred_element_type=jnp.float32)
        h = rstd * (p - m * s1_ref[...]) + c1_ref[...]
        h = h * jax.nn.sigmoid(h)
        o_ref[sel] = jnp.dot(h, w2_ref[...],
                             preferred_element_type=jnp.float32) + b2_ref[...]


def _mlp_tc(packed, W1g, s1, c1, W2, b22):
    vec = pl.BlockSpec((1, D), lambda i: (0, 0))
    mat = pl.BlockSpec((D, D), lambda i: (0, 0))
    return pl.pallas_call(
        _mlp_body,
        grid=(HB // BLK,),
        in_specs=[pl.BlockSpec((BLK, D), lambda i: (i, 0)),
                  mat, vec, vec, mat, vec],
        out_specs=pl.BlockSpec((2, BLK, D), lambda i: (0, i, 0)),
        out_shape=jax.ShapeDtypeStruct((2, HB, D), jnp.float32),
    )(packed, W1g, s1, c1, W2, b22)


def kernel(classes, cond_drop_prob, emb_table, null_classes_emb,
           ln_gamma, ln_beta, W1, b1, W2, b2):
    W1g = ln_gamma[:, None] * W1
    s1 = jnp.sum(W1g, axis=0).reshape(1, D)
    c1 = (ln_beta @ W1 + b1).reshape(1, D)
    b22 = b2.reshape(1, D)
    packed = _gather_sc(classes, emb_table)
    out3 = _mlp_tc(packed, W1g, s1, c1, W2, b22)
    return out3.reshape(B, D)

# --- scband reference (transcript-rebuilt; emitter-appended) ---
"""Pipeline reference for scband-label-embedder-85650237817260 (READ-ONLY COPY).

The authoritative reference and input builder live on the scoring server;
editing this copy changes nothing except your own understanding.
"""

import jax, jax.numpy as jnp
import numpy as np

NUM_CLASSES = 1000000
MODEL_CHANNELS = 128
CLASS_CHANNELS = 128
BATCH = 16384


def setup_inputs(seed: int = 0) -> dict:
    key = jax.random.key(seed)
    ks = jax.random.split(key, 8)
    classes = jax.random.randint(ks[0], (BATCH,), 0, NUM_CLASSES, dtype=jnp.int64 if jax.config.jax_enable_x64 else jnp.int32).astype(jnp.int32)
    emb_table = jax.random.normal(ks[1], (NUM_CLASSES, MODEL_CHANNELS), dtype=jnp.float32)
    null_classes_emb = jax.random.normal(ks[2], (1, MODEL_CHANNELS), dtype=jnp.float32)
    ln_gamma = jnp.ones((MODEL_CHANNELS,), dtype=jnp.float32)
    ln_beta = jnp.zeros((MODEL_CHANNELS,), dtype=jnp.float32)
    W1 = jax.random.normal(ks[3], (MODEL_CHANNELS, CLASS_CHANNELS), dtype=jnp.float32) * (1.0 / np.sqrt(MODEL_CHANNELS))
    b1 = jnp.zeros((CLASS_CHANNELS,), dtype=jnp.float32)
    W2 = jax.random.normal(ks[4], (CLASS_CHANNELS, CLASS_CHANNELS), dtype=jnp.float32) * (1.0 / np.sqrt(CLASS_CHANNELS))
    b2 = jnp.zeros((CLASS_CHANNELS,), dtype=jnp.float32)
    return {
        "classes": classes,
        "cond_drop_prob": 0,
        "emb_table": emb_table,
        "null_classes_emb": null_classes_emb,
        "ln_gamma": ln_gamma,
        "ln_beta": ln_beta,
        "W1": W1,
        "b1": b1,
        "W2": W2,
        "b2": b2,
    }


def _layer_norm(x, gamma, beta, eps=1e-5):
    mean = jnp.mean(x, axis=-1, keepdims=True)
    var = jnp.mean(jnp.square(x - mean), axis=-1, keepdims=True)
    return (x - mean) / jnp.sqrt(var + eps) * gamma + beta


def reference(classes, cond_drop_prob, emb_table, null_classes_emb, ln_gamma, ln_beta, W1, b1, W2, b2):
    # num_classes is not None -> integer-label embedding lookup path
    classes_emb = jnp.take(emb_table, classes, axis=0)  # [B, model_channels]
    # cond_drop_prob == 0 -> no label dropout branch (prob_mask_like never taken)
    classes_emb = classes_emb + jnp.asarray(cond_drop_prob, jnp.float32) * 0.0
    h = _layer_norm(classes_emb, ln_gamma, ln_beta)
    h = h @ W1 + b1
    h = h * jax.nn.sigmoid(h)  # SiLU
    out = h @ W2 + b2
    return out

if __name__ == "__main__":
    import jax
    _d = setup_inputs()
    print(jax.jit(kernel)(*tuple(_d.values())))

</pallas_src>

<mosaic_0001>
#map = affine_map<(d0, d1) -> (0)>
#map1 = affine_map<(d0, d1) -> (0, 0)>
module attributes {stable_mosaic.version = 14 : i64} {
  func.func @k(%arg0: i32, %arg1: i32, %arg2: memref<16384xi32, #tpu.memory_space<hbm>>, %arg3: memref<1000000x128xf32, #tpu.memory_space<hbm>>, %arg4: memref<8192x128xi32, #tpu.memory_space<hbm>>, %arg5: memref<8x64xi32, #tpu.memory_space<vmem>>, %arg6: memref<8x64x128xf32, #tpu.memory_space<vmem>>, %arg7: memref<64x128xi32, #tpu.memory_space<vmem>>, %arg8: memref<!tpu.dma_semaphore, #tpu.memory_space<semaphore_mem>>, %arg9: memref<!tpu.dma_semaphore, #tpu.memory_space<semaphore_mem>>) attributes {dimension_semantics = [#tpu.dimension_semantics<core_parallel>, #tpu.dimension_semantics<subcore_parallel>], iteration_bounds = array<i64: 2, 16>, scalar_prefetch = 0 : i64, scratch_operands = 5 : i64, tpu.core_type = #tpu.core_type<sc_vector_subcore>, window_params = [{transform_indices = #map}, {transform_indices = #map1}, {transform_indices = #map1}]} {
    %mul3A = arith.constant 2 : i32
    %mul3A_0 = arith.muli %arg1, %mul3A : i32
    %add3A = arith.addi %mul3A_0, %arg0 : i32
    %mul3A_1 = arith.constant 256 : i32
    %mul3A_2 = arith.muli %add3A, %mul3A_1 : i32
    %add3A_3 = arith.constant 0 : i32
    %add3A_4 = arith.addi %add3A_3, %mul3A_2 : i32
    %add3A_5 = arith.constant 0 : i32
    %add3A_6 = arith.addi %add3A_4, %add3A_5 : i32
    %dma_start3A = arith.constant 0 : i32
    %dma_start3A_7 = arith.constant 0 : i32
    %dma_start3A_8 = tpu.memref_slice %arg5[%dma_start3A, %dma_start3A_7] : memref<8x64xi32, #tpu.memory_space<vmem>> -> memref<1x64xi32, #tpu.memory_space<vmem>>
    %dma_start3A_9 = tpu.memref_squeeze %dma_start3A_8 : memref<1x64xi32, #tpu.memory_space<vmem>> -> memref<64xi32, #tpu.memory_space<vmem>>
    %dma_start3A_10 = tpu.memref_slice %arg2[%add3A_6] : memref<16384xi32, #tpu.memory_space<hbm>> -> memref<64xi32, #tpu.memory_space<hbm>>
    %dma_start3A_11 = arith.constant 0 : i32
    %dma_start3A_12 = tpu.memref_slice %arg5[%dma_start3A, %dma_start3A_11] : memref<8x64xi32, #tpu.memory_space<vmem>> -> memref<1x64xi32, #tpu.memory_space<vmem>>
    %dma_start3A_13 = tpu.memref_squeeze %dma_start3A_12 : memref<1x64xi32, #tpu.memory_space<vmem>> -> memref<64xi32, #tpu.memory_space<vmem>>
    %dma_start3A_14 = tpu.memref_slice %arg2[%add3A_6] : memref<16384xi32, #tpu.memory_space<hbm>> -> memref<64xi32, #tpu.memory_space<hbm>>
    tpu.enqueue_dma source(%dma_start3A_14 : memref<64xi32, #tpu.memory_space<hbm>>) target(%dma_start3A_13 : memref<64xi32, #tpu.memory_space<vmem>>) target_semaphore(%arg9 : memref<!tpu.dma_semaphore, #tpu.memory_space<semaphore_mem>>)
    %mul3A_15 = arith.constant 256 : i32
    %mul3A_16 = arith.muli %add3A, %mul3A_15 : i32
    %add3A_17 = arith.constant 8192 : i32
    %add3A_18 = arith.addi %add3A_17, %mul3A_16 : i32
    %add3A_19 = arith.constant 0 : i32
    %add3A_20 = arith.addi %add3A_18, %add3A_19 : i32
    %dma_start3A_21 = arith.constant 1 : i32
    %dma_start3A_22 = arith.constant 0 : i32
    %dma_start3A_23 = tpu.memref_slice %arg5[%dma_start3A_21, %dma_start3A_22] : memref<8x64xi32, #tpu.memory_space<vmem>> -> memref<1x64xi32, #tpu.memory_space<vmem>>
    %dma_start3A_24 = tpu.memref_squeeze %dma_start3A_23 : memref<1x64xi32, #tpu.memory_space<vmem>> -> memref<64xi32, #tpu.memory_space<vmem>>
    %dma_start3A_25 = tpu.memref_slice %arg2[%add3A_20] : memref<16384xi32, #tpu.memory_space<hbm>> -> memref<64xi32, #tpu.memory_space<hbm>>
    %dma_start3A_26 = arith.constant 0 : i32
    %dma_start3A_27 = tpu.memref_slice %arg5[%dma_start3A_21, %dma_start3A_26] : memref<8x64xi32, #tpu.memory_space<vmem>> -> memref<1x64xi32, #tpu.memory_space<vmem>>
    %dma_start3A_28 = tpu.memref_squeeze %dma_start3A_27 : memref<1x64xi32, #tpu.memory_space<vmem>> -> memref<64xi32, #tpu.memory_space<vmem>>
    %dma_start3A_29 = tpu.memref_slice %arg2[%add3A_20] : memref<16384xi32, #tpu.memory_space<hbm>> -> memref<64xi32, #tpu.memory_space<hbm>>
    tpu.enqueue_dma source(%dma_start3A_29 : memref<64xi32, #tpu.memory_space<hbm>>) target(%dma_start3A_28 : memref<64xi32, #tpu.memory_space<vmem>>) target_semaphore(%arg9 : memref<!tpu.dma_semaphore, #tpu.memory_space<semaphore_mem>>)
    %mul3A_30 = arith.constant 256 : i32
    %mul3A_31 = arith.muli %add3A, %mul3A_30 : i32
    %add3A_32 = arith.constant 0 : i32
    %add3A_33 = arith.addi %add3A_32, %mul3A_31 : i32
    %add3A_34 = arith.constant 64 : i32
    %add3A_35 = arith.addi %add3A_33, %add3A_34 : i32
    %dma_start3A_36 = arith.constant 2 : i32
    %dma_start3A_37 = arith.constant 0 : i32
    %dma_start3A_38 = tpu.memref_slice %arg5[%dma_start3A_36, %dma_start3A_37] : memref<8x64xi32, #tpu.memory_space<vmem>> -> memref<1x64xi32, #tpu.memory_space<vmem>>
    %dma_start3A_39 = tpu.memref_squeeze %dma_start3A_38 : memref<1x64xi32, #tpu.memory_space<vmem>> -> memref<64xi32, #tpu.memory_space<vmem>>
    %dma_start3A_40 = tpu.memref_slice %arg2[%add3A_35] : memref<16384xi32, #tpu.memory_space<hbm>> -> memref<64xi32, #tpu.memory_space<hbm>>
    %dma_start3A_41 = arith.constant 0 : i32
    %dma_start3A_42 = tpu.memref_slice %arg5[%dma_start3A_36, %dma_start3A_41] : memref<8x64xi32, #tpu.memory_space<vmem>> -> memref<1x64xi32, #tpu.memory_space<vmem>>
    %dma_start3A_43 = tpu.memref_squeeze %dma_start3A_42 : memref<1x64xi32, #tpu.memory_space<vmem>> -> memref<64xi32, #tpu.memory_space<vmem>>
    %dma_start3A_44 = tpu.memref_slice %arg2[%add3A_35] : memref<16384xi32, #tpu.memory_space<hbm>> -> memref<64xi32, #tpu.memory_space<hbm>>
    tpu.enqueue_dma source(%dma_start3A_44 : memref<64xi32, #tpu.memory_space<hbm>>) target(%dma_start3A_43 : memref<64xi32, #tpu.memory_space<vmem>>) target_semaphore(%arg9 : memref<!tpu.dma_semaphore, #tpu.memory_space<semaphore_mem>>)
    %mul3A_45 = arith.constant 256 : i32
    %mul3A_46 = arith.muli %add3A, %mul3A_45 : i32
    %add3A_47 = arith.constant 8192 : i32
    %add3A_48 = arith.addi %add3A_47, %mul3A_46 : i32
    %add3A_49 = arith.constant 64 : i32
    %add3A_50 = arith.addi %add3A_48, %add3A_49 : i32
    %dma_start3A_51 = arith.constant 3 : i32
    %dma_start3A_52 = arith.constant 0 : i32
    %dma_start3A_53 = tpu.memref_slice %arg5[%dma_start3A_51, %dma_start3A_52] : memref<8x64xi32, #tpu.memory_space<vmem>> -> memref<1x64xi32, #tpu.memory_space<vmem>>
    %dma_start3A_54 = tpu.memref_squeeze %dma_start3A_53 : memref<1x64xi32, #tpu.memory_space<vmem>> -> memref<64xi32, #tpu.memory_space<vmem>>
    %dma_start3A_55 = tpu.memref_slice %arg2[%add3A_50] : memref<16384xi32, #tpu.memory_space<hbm>> -> memref<64xi32, #tpu.memory_space<hbm>>
    %dma_start3A_56 = arith.constant 0 : i32
    %dma_start3A_57 = tpu.memref_slice %arg5[%dma_start3A_51, %dma_start3A_56] : memref<8x64xi32, #tpu.memory_space<vmem>> -> memref<1x64xi32, #tpu.memory_space<vmem>>
    %dma_start3A_58 = tpu.memref_squeeze %dma_start3A_57 : memref<1x64xi32, #tpu.memory_space<vmem>> -> memref<64xi32, #tpu.memory_space<vmem>>
    %dma_start3A_59 = tpu.memref_slice %arg2[%add3A_50] : memref<16384xi32, #tpu.memory_space<hbm>> -> memref<64xi32, #tpu.memory_space<hbm>>
    tpu.enqueue_dma source(%dma_start3A_59 : memref<64xi32, #tpu.memory_space<hbm>>) target(%dma_start3A_58 : memref<64xi32, #tpu.memory_space<vmem>>) target_semaphore(%arg9 : memref<!tpu.dma_semaphore, #tpu.memory_space<semaphore_mem>>)
    %mul3A_60 = arith.constant 256 : i32
    %mul3A_61 = arith.muli %add3A, %mul3A_60 : i32
    %add3A_62 = arith.constant 0 : i32
    %add3A_63 = arith.addi %add3A_62, %mul3A_61 : i32
    %add3A_64 = arith.constant 128 : i32
    %add3A_65 = arith.addi %add3A_63, %add3A_64 : i32
    %dma_start3A_66 = arith.constant 4 : i32
    %dma_start3A_67 = arith.constant 0 : i32
    %dma_start3A_68 = tpu.memref_slice %arg5[%dma_start3A_66, %dma_start3A_67] : memref<8x64xi32, #tpu.memory_space<vmem>> -> memref<1x64xi32, #tpu.memory_space<vmem>>
    %dma_start3A_69 = tpu.memref_squeeze %dma_start3A_68 : memref<1x64xi32, #tpu.memory_space<vmem>> -> memref<64xi32, #tpu.memory_space<vmem>>
    %dma_start3A_70 = tpu.memref_slice %arg2[%add3A_65] : memref<16384xi32, #tpu.memory_space<hbm>> -> memref<64xi32, #tpu.memory_space<hbm>>
    %dma_start3A_71 = arith.constant 0 : i32
    %dma_start3A_72 = tpu.memref_slice %arg5[%dma_start3A_66, %dma_start3A_71] : memref<8x64xi32, #tpu.memory_space<vmem>> -> memref<1x64xi32, #tpu.memory_space<vmem>>
    %dma_start3A_73 = tpu.memref_squeeze %dma_start3A_72 : memref<1x64xi32, #tpu.memory_space<vmem>> -> memref<64xi32, #tpu.memory_space<vmem>>
    %dma_start3A_74 = tpu.memref_slice %arg2[%add3A_65] : memref<16384xi32, #tpu.memory_space<hbm>> -> memref<64xi32, #tpu.memory_space<hbm>>
    tpu.enqueue_dma source(%dma_start3A_74 : memref<64xi32, #tpu.memory_space<hbm>>) target(%dma_start3A_73 : memref<64xi32, #tpu.memory_space<vmem>>) target_semaphore(%arg9 : memref<!tpu.dma_semaphore, #tpu.memory_space<semaphore_mem>>)
    %mul3A_75 = arith.constant 256 : i32
    %mul3A_76 = arith.muli %add3A, %mul3A_75 : i32
    %add3A_77 = arith.constant 8192 : i32
    %add3A_78 = arith.addi %add3A_77, %mul3A_76 : i32
    %add3A_79 = arith.constant 128 : i32
    %add3A_80 = arith.addi %add3A_78, %add3A_79 : i32
    %dma_start3A_81 = arith.constant 5 : i32
    %dma_start3A_82 = arith.constant 0 : i32
    %dma_start3A_83 = tpu.memref_slice %arg5[%dma_start3A_81, %dma_start3A_82] : memref<8x64xi32, #tpu.memory_space<vmem>> -> memref<1x64xi32, #tpu.memory_space<vmem>>
    %dma_start3A_84 = tpu.memref_squeeze %dma_start3A_83 : memref<1x64xi32, #tpu.memory_space<vmem>> -> memref<64xi32, #tpu.memory_space<vmem>>
    %dma_start3A_85 = tpu.memref_slice %arg2[%add3A_80] : memref<16384xi32, #tpu.memory_space<hbm>> -> memref<64xi32, #tpu.memory_space<hbm>>
    %dma_start3A_86 = arith.constant 0 : i32
    %dma_start3A_87 = tpu.memref_slice %arg5[%dma_start3A_81, %dma_start3A_86] : memref<8x64xi32, #tpu.memory_space<vmem>> -> memref<1x64xi32, #tpu.memory_space<vmem>>
    %dma_start3A_88 = tpu.memref_squeeze %dma_start3A_87 : memref<1x64xi32, #tpu.memory_space<vmem>> -> memref<64xi32, #tpu.memory_space<vmem>>
    %dma_start3A_89 = tpu.memref_slice %arg2[%add3A_80] : memref<16384xi32, #tpu.memory_space<hbm>> -> memref<64xi32, #tpu.memory_space<hbm>>
    tpu.enqueue_dma source(%dma_start3A_89 : memref<64xi32, #tpu.memory_space<hbm>>) target(%dma_start3A_88 : memref<64xi32, #tpu.memory_space<vmem>>) target_semaphore(%arg9 : memref<!tpu.dma_semaphore, #tpu.memory_space<semaphore_mem>>)
    %mul3A_90 = arith.constant 256 : i32
    %mul3A_91 = arith.muli %add3A, %mul3A_90 : i32
    %add3A_92 = arith.constant 0 : i32
    %add3A_93 = arith.addi %add3A_92, %mul3A_91 : i32
    %add3A_94 = arith.constant 192 : i32
    %add3A_95 = arith.addi %add3A_93, %add3A_94 : i32
    %dma_start3A_96 = arith.constant 6 : i32
    %dma_start3A_97 = arith.constant 0 : i32
    %dma_start3A_98 = tpu.memref_slice %arg5[%dma_start3A_96, %dma_start3A_97] : memref<8x64xi32, #tpu.memory_space<vmem>> -> memref<1x64xi32, #tpu.memory_space<vmem>>
    %dma_start3A_99 = tpu.memref_squeeze %dma_start3A_98 : memref<1x64xi32, #tpu.memory_space<vmem>> -> memref<64xi32, #tpu.memory_space<vmem>>
    %dma_start3A_100 = tpu.memref_slice %arg2[%add3A_95] : memref<16384xi32, #tpu.memory_space<hbm>> -> memref<64xi32, #tpu.memory_space<hbm>>
    %dma_start3A_101 = arith.constant 0 : i32
    %dma_start3A_102 = tpu.memref_slice %arg5[%dma_start3A_96, %dma_start3A_101] : memref<8x64xi32, #tpu.memory_space<vmem>> -> memref<1x64xi32, #tpu.memory_space<vmem>>
    %dma_start3A_103 = tpu.memref_squeeze %dma_start3A_102 : memref<1x64xi32, #tpu.memory_space<vmem>> -> memref<64xi32, #tpu.memory_space<vmem>>
    %dma_start3A_104 = tpu.memref_slice %arg2[%add3A_95] : memref<16384xi32, #tpu.memory_space<hbm>> -> memref<64xi32, #tpu.memory_space<hbm>>
    tpu.enqueue_dma source(%dma_start3A_104 : memref<64xi32, #tpu.memory_space<hbm>>) target(%dma_start3A_103 : memref<64xi32, #tpu.memory_space<vmem>>) target_semaphore(%arg9 : memref<!tpu.dma_semaphore, #tpu.memory_space<semaphore_mem>>)
    %mul3A_105 = arith.constant 256 : i32
    %mul3A_106 = arith.muli %add3A, %mul3A_105 : i32
    %add3A_107 = arith.constant 8192 : i32
    %add3A_108 = arith.addi %add3A_107, %mul3A_106 : i32
    %add3A_109 = arith.constant 192 : i32
    %add3A_110 = arith.addi %add3A_108, %add3A_109 : i32
    %dma_start3A_111 = arith.constant 7 : i32
    %dma_start3A_112 = arith.constant 0 : i32
    %dma_start3A_113 = tpu.memref_slice %arg5[%dma_start3A_111, %dma_start3A_112] : memref<8x64xi32, #tpu.memory_space<vmem>> -> memref<1x64xi32, #tpu.memory_space<vmem>>
    %dma_start3A_114 = tpu.memref_squeeze %dma_start3A_113 : memref<1x64xi32, #tpu.memory_space<vmem>> -> memref<64xi32, #tpu.memory_space<vmem>>
    %dma_start3A_115 = tpu.memref_slice %arg2[%add3A_110] : memref<16384xi32, #tpu.memory_space<hbm>> -> memref<64xi32, #tpu.memory_space<hbm>>
    %dma_start3A_116 = arith.constant 0 : i32
    %dma_start3A_117 = tpu.memref_slice %arg5[%dma_start3A_111, %dma_start3A_116] : memref<8x64xi32, #tpu.memory_space<vmem>> -> memref<1x64xi32, #tpu.memory_space<vmem>>
    %dma_start3A_118 = tpu.memref_squeeze %dma_start3A_117 : memref<1x64xi32, #tpu.memory_space<vmem>> -> memref<64xi32, #tpu.memory_space<vmem>>
    %dma_start3A_119 = tpu.memref_slice %arg2[%add3A_110] : memref<16384xi32, #tpu.memory_space<hbm>> -> memref<64xi32, #tpu.memory_space<hbm>>
    tpu.enqueue_dma source(%dma_start3A_119 : memref<64xi32, #tpu.memory_space<hbm>>) target(%dma_start3A_118 : memref<64xi32, #tpu.memory_space<vmem>>) target_semaphore(%arg9 : memref<!tpu.dma_semaphore, #tpu.memory_space<semaphore_mem>>)
    %dma_wait3A = arith.constant 0 : i32
    %dma_wait3A_120 = arith.constant 0 : i32
    %dma_wait3A_121 = tpu.memref_slice %arg5[%dma_wait3A, %dma_wait3A_120] : memref<8x64xi32, #tpu.memory_space<vmem>> -> memref<1x64xi32, #tpu.memory_space<vmem>>
    %dma_wait3A_122 = tpu.memref_squeeze %dma_wait3A_121 : memref<1x64xi32, #tpu.memory_space<vmem>> -> memref<64xi32, #tpu.memory_space<vmem>>
    %dma_wait3A_123 = tpu.memref_slice %arg2[%add3A_6] : memref<16384xi32, #tpu.memory_space<hbm>> -> memref<64xi32, #tpu.memory_space<hbm>>
    %dma_wait3A_124 = arith.constant 0 : i32
    %dma_wait3A_125 = tpu.memref_slice %arg5[%dma_wait3A, %dma_wait3A_124] : memref<8x64xi32, #tpu.memory_space<vmem>> -> memref<1x64xi32, #tpu.memory_space<vmem>>
    %dma_wait3A_126 = tpu.memref_squeeze %dma_wait3A_125 : memref<1x64xi32, #tpu.memory_space<vmem>> -> memref<64xi32, #tpu.memory_space<vmem>>
    %dma_wait3A_127 = tpu.memref_slice %arg2[%add3A_6] : memref<16384xi32, #tpu.memory_space<hbm>> -> memref<64xi32, #tpu.memory_space<hbm>>
    tpu.wait_dma2 semaphore(%arg9 : memref<!tpu.dma_semaphore, #tpu.memory_space<semaphore_mem>>) src(%dma_wait3A_127 : memref<64xi32, #tpu.memory_space<hbm>>) dst(%dma_wait3A_126 : memref<64xi32, #tpu.memory_space<vmem>>)
    %dma_wait3A_128 = arith.constant 1 : i32
    %dma_wait3A_129 = arith.constant 0 : i32
    %dma_wait3A_130 = tpu.memref_slice %arg5[%dma_wait3A_128, %dma_wait3A_129] : memref<8x64xi32, #tpu.memory_space<vmem>> -> memref<1x64xi32, #tpu.memory_space<vmem>>
    %dma_wait3A_131 = tpu.memref_squeeze %dma_wait3A_130 : memref<1x64xi32, #tpu.memory_space<vmem>> -> memref<64xi32, #tpu.memory_space<vmem>>
    %dma_wait3A_132 = tpu.memref_slice %arg2[%add3A_20] : memref<16384xi32, #tpu.memory_space<hbm>> -> memref<64xi32, #tpu.memory_space<hbm>>
    %dma_wait3A_133 = arith.constant 0 : i32
    %dma_wait3A_134 = tpu.memref_slice %arg5[%dma_wait3A_128, %dma_wait3A_133] : memref<8x64xi32, #tpu.memory_space<vmem>> -> memref<1x64xi32, #tpu.memory_space<vmem>>
    %dma_wait3A_135 = tpu.memref_squeeze %dma_wait3A_134 : memref<1x64xi32, #tpu.memory_space<vmem>> -> memref<64xi32, #tpu.memory_space<vmem>>
    %dma_wait3A_136 = tpu.memref_slice %arg2[%add3A_20] : memref<16384xi32, #tpu.memory_space<hbm>> -> memref<64xi32, #tpu.memory_space<hbm>>
    tpu.wait_dma2 semaphore(%arg9 : memref<!tpu.dma_semaphore, #tpu.memory_space<semaphore_mem>>) src(%dma_wait3A_136 : memref<64xi32, #tpu.memory_space<hbm>>) dst(%dma_wait3A_135 : memref<64xi32, #tpu.memory_space<vmem>>)
    %dma_wait3A_137 = arith.constant 2 : i32
    %dma_wait3A_138 = arith.constant 0 : i32
    %dma_wait3A_139 = tpu.memref_slice %arg5[%dma_wait3A_137, %dma_wait3A_138] : memref<8x64xi32, #tpu.memory_space<vmem>> -> memref<1x64xi32, #tpu.memory_space<vmem>>
    %dma_wait3A_140 = tpu.memref_squeeze %dma_wait3A_139 : memref<1x64xi32, #tpu.memory_space<vmem>> -> memref<64xi32, #tpu.memory_space<vmem>>
    %dma_wait3A_141 = tpu.memref_slice %arg2[%add3A_35] : memref<16384xi32, #tpu.memory_space<hbm>> -> memref<64xi32, #tpu.memory_space<hbm>>
    %dma_wait3A_142 = arith.constant 0 : i32
    %dma_wait3A_143 = tpu.memref_slice %arg5[%dma_wait3A_137, %dma_wait3A_142] : memref<8x64xi32, #tpu.memory_space<vmem>> -> memref<1x64xi32, #tpu.memory_space<vmem>>
    %dma_wait3A_144 = tpu.memref_squeeze %dma_wait3A_143 : memref<1x64xi32, #tpu.memory_space<vmem>> -> memref<64xi32, #tpu.memory_space<vmem>>
    %dma_wait3A_145 = tpu.memref_slice %arg2[%add3A_35] : memref<16384xi32, #tpu.memory_space<hbm>> -> memref<64xi32, #tpu.memory_space<hbm>>
    tpu.wait_dma2 semaphore(%arg9 : memref<!tpu.dma_semaphore, #tpu.memory_space<semaphore_mem>>) src(%dma_wait3A_145 : memref<64xi32, #tpu.memory_space<hbm>>) dst(%dma_wait3A_144 : memref<64xi32, #tpu.memory_space<vmem>>)
    %dma_wait3A_146 = arith.constant 3 : i32
    %dma_wait3A_147 = arith.constant 0 : i32
    %dma_wait3A_148 = tpu.memref_slice %arg5[%dma_wait3A_146, %dma_wait3A_147] : memref<8x64xi32, #tpu.memory_space<vmem>> -> memref<1x64xi32, #tpu.memory_space<vmem>>
    %dma_wait3A_149 = tpu.memref_squeeze %dma_wait3A_148 : memref<1x64xi32, #tpu.memory_space<vmem>> -> memref<64xi32, #tpu.memory_space<vmem>>
    %dma_wait3A_150 = tpu.memref_slice %arg2[%add3A_50] : memref<16384xi32, #tpu.memory_space<hbm>> -> memref<64xi32, #tpu.memory_space<hbm>>
    %dma_wait3A_151 = arith.constant 0 : i32
    %dma_wait3A_152 = tpu.memref_slice %arg5[%dma_wait3A_146, %dma_wait3A_151] : memref<8x64xi32, #tpu.memory_space<vmem>> -> memref<1x64xi32, #tpu.memory_space<vmem>>
    %dma_wait3A_153 = tpu.memref_squeeze %dma_wait3A_152 : memref<1x64xi32, #tpu.memory_space<vmem>> -> memref<64xi32, #tpu.memory_space<vmem>>
    %dma_wait3A_154 = tpu.memref_slice %arg2[%add3A_50] : memref<16384xi32, #tpu.memory_space<hbm>> -> memref<64xi32, #tpu.memory_space<hbm>>
    tpu.wait_dma2 semaphore(%arg9 : memref<!tpu.dma_semaphore, #tpu.memory_space<semaphore_mem>>) src(%dma_wait3A_154 : memref<64xi32, #tpu.memory_space<hbm>>) dst(%dma_wait3A_153 : memref<64xi32, #tpu.memory_space<vmem>>)
    %dma_wait3A_155 = arith.constant 4 : i32
    %dma_wait3A_156 = arith.constant 0 : i32
    %dma_wait3A_157 = tpu.memref_slice %arg5[%dma_wait3A_155, %dma_wait3A_156] : memref<8x64xi32, #tpu.memory_space<vmem>> -> memref<1x64xi32, #tpu.memory_space<vmem>>
    %dma_wait3A_158 = tpu.memref_squeeze %dma_wait3A_157 : memref<1x64xi32, #tpu.memory_space<vmem>> -> memref<64xi32, #tpu.memory_space<vmem>>
    %dma_wait3A_159 = tpu.memref_slice %arg2[%add3A_65] : memref<16384xi32, #tpu.memory_space<hbm>> -> memref<64xi32, #tpu.memory_space<hbm>>
    %dma_wait3A_160 = arith.constant 0 : i32
    %dma_wait3A_161 = tpu.memref_slice %arg5[%dma_wait3A_155, %dma_wait3A_160] : memref<8x64xi32, #tpu.memory_space<vmem>> -> memref<1x64xi32, #tpu.memory_space<vmem>>
    %dma_wait3A_162 = tpu.memref_squeeze %dma_wait3A_161 : memref<1x64xi32, #tpu.memory_space<vmem>> -> memref<64xi32, #tpu.memory_space<vmem>>
    %dma_wait3A_163 = tpu.memref_slice %arg2[%add3A_65] : memref<16384xi32, #tpu.memory_space<hbm>> -> memref<64xi32, #tpu.memory_space<hbm>>
    tpu.wait_dma2 semaphore(%arg9 : memref<!tpu.dma_semaphore, #tpu.memory_space<semaphore_mem>>) src(%dma_wait3A_163 : memref<64xi32, #tpu.memory_space<hbm>>) dst(%dma_wait3A_162 : memref<64xi32, #tpu.memory_space<vmem>>)
    %dma_wait3A_164 = arith.constant 5 : i32
    %dma_wait3A_165 = arith.constant 0 : i32
    %dma_wait3A_166 = tpu.memref_slice %arg5[%dma_wait3A_164, %dma_wait3A_165] : memref<8x64xi32, #tpu.memory_space<vmem>> -> memref<1x64xi32, #tpu.memory_space<vmem>>
    %dma_wait3A_167 = tpu.memref_squeeze %dma_wait3A_166 : memref<1x64xi32, #tpu.memory_space<vmem>> -> memref<64xi32, #tpu.memory_space<vmem>>
    %dma_wait3A_168 = tpu.memref_slice %arg2[%add3A_80] : memref<16384xi32, #tpu.memory_space<hbm>> -> memref<64xi32, #tpu.memory_space<hbm>>
    %dma_wait3A_169 = arith.constant 0 : i32
    %dma_wait3A_170 = tpu.memref_slice %arg5[%dma_wait3A_164, %dma_wait3A_169] : memref<8x64xi32, #tpu.memory_space<vmem>> -> memref<1x64xi32, #tpu.memory_space<vmem>>
    %dma_wait3A_171 = tpu.memref_squeeze %dma_wait3A_170 : memref<1x64xi32, #tpu.memory_space<vmem>> -> memref<64xi32, #tpu.memory_space<vmem>>
    %dma_wait3A_172 = tpu.memref_slice %arg2[%add3A_80] : memref<16384xi32, #tpu.memory_space<hbm>> -> memref<64xi32, #tpu.memory_space<hbm>>
    tpu.wait_dma2 semaphore(%arg9 : memref<!tpu.dma_semaphore, #tpu.memory_space<semaphore_mem>>) src(%dma_wait3A_172 : memref<64xi32, #tpu.memory_space<hbm>>) dst(%dma_wait3A_171 : memref<64xi32, #tpu.memory_space<vmem>>)
    %dma_wait3A_173 = arith.constant 6 : i32
    %dma_wait3A_174 = arith.constant 0 : i32
    %dma_wait3A_175 = tpu.memref_slice %arg5[%dma_wait3A_173, %dma_wait3A_174] : memref<8x64xi32, #tpu.memory_space<vmem>> -> memref<1x64xi32, #tpu.memory_space<vmem>>
    %dma_wait3A_176 = tpu.memref_squeeze %dma_wait3A_175 : memref<1x64xi32, #tpu.memory_space<vmem>> -> memref<64xi32, #tpu.memory_space<vmem>>
    %dma_wait3A_177 = tpu.memref_slice %arg2[%add3A_95] : memref<16384xi32, #tpu.memory_space<hbm>> -> memref<64xi32, #tpu.memory_space<hbm>>
    %dma_wait3A_178 = arith.constant 0 : i32
    %dma_wait3A_179 = tpu.memref_slice %arg5[%dma_wait3A_173, %dma_wait3A_178] : memref<8x64xi32, #tpu.memory_space<vmem>> -> memref<1x64xi32, #tpu.memory_space<vmem>>
    %dma_wait3A_180 = tpu.memref_squeeze %dma_wait3A_179 : memref<1x64xi32, #tpu.memory_space<vmem>> -> memref<64xi32, #tpu.memory_space<vmem>>
    %dma_wait3A_181 = tpu.memref_slice %arg2[%add3A_95] : memref<16384xi32, #tpu.memory_space<hbm>> -> memref<64xi32, #tpu.memory_space<hbm>>
    tpu.wait_dma2 semaphore(%arg9 : memref<!tpu.dma_semaphore, #tpu.memory_space<semaphore_mem>>) src(%dma_wait3A_181 : memref<64xi32, #tpu.memory_space<hbm>>) dst(%dma_wait3A_180 : memref<64xi32, #tpu.memory_space<vmem>>)
    %dma_wait3A_182 = arith.constant 7 : i32
    %dma_wait3A_183 = arith.constant 0 : i32
    %dma_wait3A_184 = tpu.memref_slice %arg5[%dma_wait3A_182, %dma_wait3A_183] : memref<8x64xi32, #tpu.memory_space<vmem>> -> memref<1x64xi32, #tpu.memory_space<vmem>>
    %dma_wait3A_185 = tpu.memref_squeeze %dma_wait3A_184 : memref<1x64xi32, #tpu.memory_space<vmem>> -> memref<64xi32, #tpu.memory_space<vmem>>
    %dma_wait3A_186 = tpu.memref_slice %arg2[%add3A_110] : memref<16384xi32, #tpu.memory_space<hbm>> -> memref<64xi32, #tpu.memory_space<hbm>>
    %dma_wait3A_187 = arith.constant 0 : i32
    %dma_wait3A_188 = tpu.memref_slice %arg5[%dma_wait3A_182, %dma_wait3A_187] : memref<8x64xi32, #tpu.memory_space<vmem>> -> memref<1x64xi32, #tpu.memory_space<vmem>>
    %dma_wait3A_189 = tpu.memref_squeeze %dma_wait3A_188 : memref<1x64xi32, #tpu.memory_space<vmem>> -> memref<64xi32, #tpu.memory_space<vmem>>
    %dma_wait3A_190 = tpu.memref_slice %arg2[%add3A_110] : memref<16384xi32, #tpu.memory_space<hbm>> -> memref<64xi32, #tpu.memory_space<hbm>>
    tpu.wait_dma2 semaphore(%arg9 : memref<!tpu.dma_semaphore, #tpu.memory_space<semaphore_mem>>) src(%dma_wait3A_190 : memref<64xi32, #tpu.memory_space<hbm>>) dst(%dma_wait3A_189 : memref<64xi32, #tpu.memory_space<vmem>>)
    %dma_start3A_191 = arith.constant 0 : i32
    %dma_start3A_192 = arith.constant 0 : i32
    %dma_start3A_193 = arith.constant 0 : i32
    %dma_start3A_194 = arith.constant 0 : i32
    %dma_start3A_195 = tpu.memref_slice %arg6[%dma_start3A_192, %dma_start3A_193, %dma_start3A_194] : memref<8x64x128xf32, #tpu.memory_space<vmem>> -> memref<1x64x128xf32, #tpu.memory_space<vmem>>
    %dma_start3A_196 = tpu.memref_squeeze %dma_start3A_195 : memref<1x64x128xf32, #tpu.memory_space<vmem>> -> memref<64x128xf32, #tpu.memory_space<vmem>>
    %dma_start3A_197 = arith.constant 0 : i32
    %dma_start3A_198 = tpu.memref_slice %arg5[%dma_start3A_191, %dma_start3A_197] : memref<8x64xi32, #tpu.memory_space<vmem>> -> memref<1x64xi32, #tpu.memory_space<vmem>>
    %dma_start3A_199 = tpu.memref_squeeze %dma_start3A_198 : memref<1x64xi32, #tpu.memory_space<vmem>> -> memref<64xi32, #tpu.memory_space<vmem>>
    %dma_start3A_200 = arith.constant 0 : i32
    %dma_start3A_201 = arith.constant 0 : i32
    %dma_start3A_202 = tpu.memref_slice %arg3[%dma_start3A_200, %dma_start3A_201] : memref<1000000x128xf32, #tpu.memory_space<hbm>> -> memref<1000000x128xf32, #tpu.memory_space<hbm>>
    tpu.enqueue_indirect_dma source(%dma_start3A_202 : memref<1000000x128xf32, #tpu.memory_space<hbm>>) target(%dma_start3A_196 : memref<64x128xf32, #tpu.memory_space<vmem>>) offsets(%dma_start3A_199 : memref<64xi32, #tpu.memory_space<vmem>>) semaphore(%arg8 : memref<!tpu.dma_semaphore, #tpu.memory_space<semaphore_mem>>)
    %dma_start3A_203 = arith.constant 1 : i32
    %dma_start3A_204 = arith.constant 1 : i32
    %dma_start3A_205 = arith.constant 0 : i32
    %dma_start3A_206 = arith.constant 0 : i32
    %dma_start3A_207 = tpu.memref_slice %arg6[%dma_start3A_204, %dma_start3A_205, %dma_start3A_206] : memref<8x64x128xf32, #tpu.memory_space<vmem>> -> memref<1x64x128xf32, #tpu.memory_space<vmem>>
    %dma_start3A_208 = tpu.memref_squeeze %dma_start3A_207 : memref<1x64x128xf32, #tpu.memory_space<vmem>> -> memref<64x128xf32, #tpu.memory_space<vmem>>
    %dma_start3A_209 = arith.constant 0 : i32
    %dma_start3A_210 = tpu.memref_slice %arg5[%dma_start3A_203, %dma_start3A_209] : memref<8x64xi32, #tpu.memory_space<vmem>> -> memref<1x64xi32, #tpu.memory_space<vmem>>
    %dma_start3A_211 = tpu.memref_squeeze %dma_start3A_210 : memref<1x64xi32, #tpu.memory_space<vmem>> -> memref<64xi32, #tpu.memory_space<vmem>>
    %dma_start3A_212 = arith.constant 0 : i32
    %dma_start3A_213 = arith.constant 0 : i32
    %dma_start3A_214 = tpu.memref_slice %arg3[%dma_start3A_212, %dma_start3A_213] : memref<1000000x128xf32, #tpu.memory_space<hbm>> -> memref<1000000x128xf32, #tpu.memory_space<hbm>>
    tpu.enqueue_indirect_dma source(%dma_start3A_214 : memref<1000000x128xf32, #tpu.memory_space<hbm>>) target(%dma_start3A_208 : memref<64x128xf32, #tpu.memory_space<vmem>>) offsets(%dma_start3A_211 : memref<64xi32, #tpu.memory_space<vmem>>) semaphore(%arg8 : memref<!tpu.dma_semaphore, #tpu.memory_space<semaphore_mem>>)
    %dma_start3A_215 = arith.constant 2 : i32
    %dma_start3A_216 = arith.constant 2 : i32
    %dma_start3A_217 = arith.constant 0 : i32
    %dma_start3A_218 = arith.constant 0 : i32
    %dma_start3A_219 = tpu.memref_slice %arg6[%dma_start3A_216, %dma_start3A_217, %dma_start3A_218] : memref<8x64x128xf32, #tpu.memory_space<vmem>> -> memref<1x64x128xf32, #tpu.memory_space<vmem>>
    %dma_start3A_220 = tpu.memref_squeeze %dma_start3A_219 : memref<1x64x128xf32, #tpu.memory_space<vmem>> -> memref<64x128xf32, #tpu.memory_space<vmem>>
    %dma_start3A_221 = arith.constant 0 : i32
    %dma_start3A_222 = tpu.memref_slice %arg5[%dma_start3A_215, %dma_start3A_221] : memref<8x64xi32, #tpu.memory_space<vmem>> -> memref<1x64xi32, #tpu.memory_space<vmem>>
    %dma_start3A_223 = tpu.memref_squeeze %dma_start3A_222 : memref<1x64xi32, #tpu.memory_space<vmem>> -> memref<64xi32, #tpu.memory_space<vmem>>
    %dma_start3A_224 = arith.constant 0 : i32
    %dma_start3A_225 = arith.constant 0 : i32
    %dma_start3A_226 = tpu.memref_slice %arg3[%dma_start3A_224, %dma_start3A_225] : memref<1000000x128xf32, #tpu.memory_space<hbm>> -> memref<1000000x128xf32, #tpu.memory_space<hbm>>
    tpu.enqueue_indirect_dma source(%dma_start3A_226 : memref<1000000x128xf32, #tpu.memory_space<hbm>>) target(%dma_start3A_220 : memref<64x128xf32, #tpu.memory_space<vmem>>) offsets(%dma_start3A_223 : memref<64xi32, #tpu.memory_space<vmem>>) semaphore(%arg8 : memref<!tpu.dma_semaphore, #tpu.memory_space<semaphore_mem>>)
    %dma_start3A_227 = arith.constant 3 : i32
    %dma_start3A_228 = arith.constant 3 : i32
    %dma_start3A_229 = arith.constant 0 : i32
    %dma_start3A_230 = arith.constant 0 : i32
    %dma_start3A_231 = tpu.memref_slice %arg6[%dma_start3A_228, %dma_start3A_229, %dma_start3A_230] : memref<8x64x128xf32, #tpu.memory_space<vmem>> -> memref<1x64x128xf32, #tpu.memory_space<vmem>>
    %dma_start3A_232 = tpu.memref_squeeze %dma_start3A_231 : memref<1x64x128xf32, #tpu.memory_space<vmem>> -> memref<64x128xf32, #tpu.memory_space<vmem>>
    %dma_start3A_233 = arith.constant 0 : i32
    %dma_start3A_234 = tpu.memref_slice %arg5[%dma_start3A_227, %dma_start3A_233] : memref<8x64xi32, #tpu.memory_space<vmem>> -> memref<1x64xi32, #tpu.memory_space<vmem>>
    %dma_start3A_235 = tpu.memref_squeeze %dma_start3A_234 : memref<1x64xi32, #tpu.memory_space<vmem>> -> memref<64xi32, #tpu.memory_space<vmem>>
    %dma_start3A_236 = arith.constant 0 : i32
    %dma_start3A_237 = arith.constant 0 : i32
    %dma_start3A_238 = tpu.memref_slice %arg3[%dma_start3A_236, %dma_start3A_237] : memref<1000000x128xf32, #tpu.memory_space<hbm>> -> memref<1000000x128xf32, #tpu.memory_space<hbm>>
    tpu.enqueue_indirect_dma source(%dma_start3A_238 : memref<1000000x128xf32, #tpu.memory_space<hbm>>) target(%dma_start3A_232 : memref<64x128xf32, #tpu.memory_space<vmem>>) offsets(%dma_start3A_235 : memref<64xi32, #tpu.memory_space<vmem>>) semaphore(%arg8 : memref<!tpu.dma_semaphore, #tpu.memory_space<semaphore_mem>>)
    %dma_start3A_239 = arith.constant 4 : i32
    %dma_start3A_240 = arith.constant 4 : i32
    %dma_start3A_241 = arith.constant 0 : i32
    %dma_start3A_242 = arith.constant 0 : i32
    %dma_start3A_243 = tpu.memref_slice %arg6[%dma_start3A_240, %dma_start3A_241, %dma_start3A_242] : memref<8x64x128xf32, #tpu.memory_space<vmem>> -> memref<1x64x128xf32, #tpu.memory_space<vmem>>
    %dma_start3A_244 = tpu.memref_squeeze %dma_start3A_243 : memref<1x64x128xf32, #tpu.memory_space<vmem>> -> memref<64x128xf32, #tpu.memory_space<vmem>>
    %dma_start3A_245 = arith.constant 0 : i32
    %dma_start3A_246 = tpu.memref_slice %arg5[%dma_start3A_239, %dma_start3A_245] : memref<8x64xi32, #tpu.memory_space<vmem>> -> memref<1x64xi32, #tpu.memory_space<vmem>>
    %dma_start3A_247 = tpu.memref_squeeze %dma_start3A_246 : memref<1x64xi32, #tpu.memory_space<vmem>> -> memref<64xi32, #tpu.memory_space<vmem>>
    %dma_start3A_248 = arith.constant 0 : i32
    %dma_start3A_249 = arith.constant 0 : i32
    %dma_start3A_250 = tpu.memref_slice %arg3[%dma_start3A_248, %dma_start3A_249] : memref<1000000x128xf32, #tpu.memory_space<hbm>> -> memref<1000000x128xf32, #tpu.memory_space<hbm>>
    tpu.enqueue_indirect_dma source(%dma_start3A_250 : memref<1000000x128xf32, #tpu.memory_space<hbm>>) target(%dma_start3A_244 : memref<64x128xf32, #tpu.memory_space<vmem>>) offsets(%dma_start3A_247 : memref<64xi32, #tpu.memory_space<vmem>>) semaphore(%arg8 : memref<!tpu.dma_semaphore, #tpu.memory_space<semaphore_mem>>)
    %dma_start3A_251 = arith.constant 5 : i32
    %dma_start3A_252 = arith.constant 5 : i32
    %dma_start3A_253 = arith.constant 0 : i32
    %dma_start3A_254 = arith.constant 0 : i32
    %dma_start3A_255 = tpu.memref_slice %arg6[%dma_start3A_252, %dma_start3A_253, %dma_start3A_254] : memref<8x64x128xf32, #tpu.memory_space<vmem>> -> memref<1x64x128xf32, #tpu.memory_space<vmem>>
    %dma_start3A_256 = tpu.memref_squeeze %dma_start3A_255 : memref<1x64x128xf32, #tpu.memory_space<vmem>> -> memref<64x128xf32, #tpu.memory_space<vmem>>
    %dma_start3A_257 = arith.constant 0 : i32
    %dma_start3A_258 = tpu.memref_slice %arg5[%dma_start3A_251, %dma_start3A_257] : memref<8x64xi32, #tpu.memory_space<vmem>> -> memref<1x64xi32, #tpu.memory_space<vmem>>
    %dma_start3A_259 = tpu.memref_squeeze %dma_start3A_258 : memref<1x64xi32, #tpu.memory_space<vmem>> -> memref<64xi32, #tpu.memory_space<vmem>>
    %dma_start3A_260 = arith.constant 0 : i32
    %dma_start3A_261 = arith.constant 0 : i32
    %dma_start3A_262 = tpu.memref_slice %arg3[%dma_start3A_260, %dma_start3A_261] : memref<1000000x128xf32, #tpu.memory_space<hbm>> -> memref<1000000x128xf32, #tpu.memory_space<hbm>>
    tpu.enqueue_indirect_dma source(%dma_start3A_262 : memref<1000000x128xf32, #tpu.memory_space<hbm>>) target(%dma_start3A_256 : memref<64x128xf32, #tpu.memory_space<vmem>>) offsets(%dma_start3A_259 : memref<64xi32, #tpu.memory_space<vmem>>) semaphore(%arg8 : memref<!tpu.dma_semaphore, #tpu.memory_space<semaphore_mem>>)
    %dma_start3A_263 = arith.constant 6 : i32
    %dma_start3A_264 = arith.constant 6 : i32
    %dma_start3A_265 = arith.constant 0 : i32
    %dma_start3A_266 = arith.constant 0 : i32
    %dma_start3A_267 = tpu.memref_slice %arg6[%dma_start3A_264, %dma_start3A_265, %dma_start3A_266] : memref<8x64x128xf32, #tpu.memory_space<vmem>> -> memref<1x64x128xf32, #tpu.memory_space<vmem>>
    %dma_start3A_268 = tpu.memref_squeeze %dma_start3A_267 : memref<1x64x128xf32, #tpu.memory_space<vmem>> -> memref<64x128xf32, #tpu.memory_space<vmem>>
    %dma_start3A_269 = arith.constant 0 : i32
    %dma_start3A_270 = tpu.memref_slice %arg5[%dma_start3A_263, %dma_start3A_269] : memref<8x64xi32, #tpu.memory_space<vmem>> -> memref<1x64xi32, #tpu.memory_space<vmem>>
    %dma_start3A_271 = tpu.memref_squeeze %dma_start3A_270 : memref<1x64xi32, #tpu.memory_space<vmem>> -> memref<64xi32, #tpu.memory_space<vmem>>
    %dma_start3A_272 = arith.constant 0 : i32
    %dma_start3A_273 = arith.constant 0 : i32
    %dma_start3A_274 = tpu.memref_slice %arg3[%dma_start3A_272, %dma_start3A_273] : memref<1000000x128xf32, #tpu.memory_space<hbm>> -> memref<1000000x128xf32, #tpu.memory_space<hbm>>
    tpu.enqueue_indirect_dma source(%dma_start3A_274 : memref<1000000x128xf32, #tpu.memory_space<hbm>>) target(%dma_start3A_268 : memref<64x128xf32, #tpu.memory_space<vmem>>) offsets(%dma_start3A_271 : memref<64xi32, #tpu.memory_space<vmem>>) semaphore(%arg8 : memref<!tpu.dma_semaphore, #tpu.memory_space<semaphore_mem>>)
    %dma_start3A_275 = arith.constant 7 : i32
    %dma_start3A_276 = arith.constant 7 : i32
    %dma_start3A_277 = arith.constant 0 : i32
    %dma_start3A_278 = arith.constant 0 : i32
    %dma_start3A_279 = tpu.memref_slice %arg6[%dma_start3A_276, %dma_start3A_277, %dma_start3A_278] : memref<8x64x128xf32, #tpu.memory_space<vmem>> -> memref<1x64x128xf32, #tpu.memory_space<vmem>>
    %dma_start3A_280 = tpu.memref_squeeze %dma_start3A_279 : memref<1x64x128xf32, #tpu.memory_space<vmem>> -> memref<64x128xf32, #tpu.memory_space<vmem>>
    %dma_start3A_281 = arith.constant 0 : i32
    %dma_start3A_282 = tpu.memref_slice %arg5[%dma_start3A_275, %dma_start3A_281] : memref<8x64xi32, #tpu.memory_space<vmem>> -> memref<1x64xi32, #tpu.memory_space<vmem>>
    %dma_start3A_283 = tpu.memref_squeeze %dma_start3A_282 : memref<1x64xi32, #tpu.memory_space<vmem>> -> memref<64xi32, #tpu.memory_space<vmem>>
    %dma_start3A_284 = arith.constant 0 : i32
    %dma_start3A_285 = arith.constant 0 : i32
    %dma_start3A_286 = tpu.memref_slice %arg3[%dma_start3A_284, %dma_start3A_285] : memref<1000000x128xf32, #tpu.memory_space<hbm>> -> memref<1000000x128xf32, #tpu.memory_space<hbm>>
    tpu.enqueue_indirect_dma source(%dma_start3A_286 : memref<1000000x128xf32, #tpu.memory_space<hbm>>) target(%dma_start3A_280 : memref<64x128xf32, #tpu.memory_space<vmem>>) offsets(%dma_start3A_283 : memref<64xi32, #tpu.memory_space<vmem>>) semaphore(%arg8 : memref<!tpu.dma_semaphore, #tpu.memory_space<semaphore_mem>>)
    %broadcast_in_dim3A = arith.constant 32768 : i32
    %broadcast_in_dim3A_287 = vector.broadcast %broadcast_in_dim3A : i32 to vector<16xi32>
    %broadcast_in_dim3A_288 = arith.constant -65536 : i32
    %broadcast_in_dim3A_289 = vector.broadcast %broadcast_in_dim3A_288 : i32 to vector<16xi32>
    %dma_wait3A_290 = arith.constant 0 : i32
    %dma_wait3A_291 = arith.constant 0 : i32
    %dma_wait3A_292 = arith.constant 0 : i32
    %dma_wait3A_293 = arith.constant 0 : i32
    %dma_wait3A_294 = tpu.memref_slice %arg6[%dma_wait3A_291, %dma_wait3A_292, %dma_wait3A_293] : memref<8x64x128xf32, #tpu.memory_space<vmem>> -> memref<1x64x128xf32, #tpu.memory_space<vmem>>
    %dma_wait3A_295 = tpu.memref_squeeze %dma_wait3A_294 : memref<1x64x128xf32, #tpu.memory_space<vmem>> -> memref<64x128xf32, #tpu.memory_space<vmem>>
    %dma_wait3A_296 = arith.constant 0 : i32
    %dma_wait3A_297 = tpu.memref_slice %arg5[%dma_wait3A_290, %dma_wait3A_296] : memref<8x64xi32, #tpu.memory_space<vmem>> -> memref<1x64xi32, #tpu.memory_space<vmem>>
    %dma_wait3A_298 = tpu.memref_squeeze %dma_wait3A_297 : memref<1x64xi32, #tpu.memory_space<vmem>> -> memref<64xi32, #tpu.memory_space<vmem>>
    %dma_wait3A_299 = arith.constant 0 : i32
    %dma_wait3A_300 = arith.constant 0 : i32
    %dma_wait3A_301 = tpu.memref_slice %arg3[%dma_wait3A_299, %dma_wait3A_300] : memref<1000000x128xf32, #tpu.memory_space<hbm>> -> memref<1000000x128xf32, #tpu.memory_space<hbm>>
    tpu.wait_indirect_dma semaphore(%arg8 : memref<!tpu.dma_semaphore, #tpu.memory_space<semaphore_mem>>) src(%dma_wait3A_301 : memref<1000000x128xf32, #tpu.memory_space<hbm>>) dst(%dma_wait3A_295 : memref<64x128xf32, #tpu.memory_space<vmem>>)
    %dma_wait3A_302 = arith.constant 1 : i32
    %dma_wait3A_303 = arith.constant 1 : i32
    %dma_wait3A_304 = arith.constant 0 : i32
    %dma_wait3A_305 = arith.constant 0 : i32
    %dma_wait3A_306 = tpu.memref_slice %arg6[%dma_wait3A_303, %dma_wait3A_304, %dma_wait3A_305] : memref<8x64x128xf32, #tpu.memory_space<vmem>> -> memref<1x64x128xf32, #tpu.memory_space<vmem>>
    %dma_wait3A_307 = tpu.memref_squeeze %dma_wait3A_306 : memref<1x64x128xf32, #tpu.memory_space<vmem>> -> memref<64x128xf32, #tpu.memory_space<vmem>>
    %dma_wait3A_308 = arith.constant 0 : i32
    %dma_wait3A_309 = tpu.memref_slice %arg5[%dma_wait3A_302, %dma_wait3A_308] : memref<8x64xi32, #tpu.memory_space<vmem>> -> memref<1x64xi32, #tpu.memory_space<vmem>>
    %dma_wait3A_310 = tpu.memref_squeeze %dma_wait3A_309 : memref<1x64xi32, #tpu.memory_space<vmem>> -> memref<64xi32, #tpu.memory_space<vmem>>
    %dma_wait3A_311 = arith.constant 0 : i32
    %dma_wait3A_312 = arith.constant 0 : i32
    %dma_wait3A_313 = tpu.memref_slice %arg3[%dma_wait3A_311, %dma_wait3A_312] : memref<1000000x128xf32, #tpu.memory_space<hbm>> -> memref<1000000x128xf32, #tpu.memory_space<hbm>>
    tpu.wait_indirect_dma semaphore(%arg8 : memref<!tpu.dma_semaphore, #tpu.memory_space<semaphore_mem>>) src(%dma_wait3A_313 : memref<1000000x128xf32, #tpu.memory_space<hbm>>) dst(%dma_wait3A_307 : memref<64x128xf32, #tpu.memory_space<vmem>>)
    %scan3A = arith.constant 0 : i32
    %scan3A_314 = arith.constant 64 : i32
    %scan3A_315 = arith.addi %scan3A, %scan3A_314 : i32
    %scan3A_316 = arith.constant 1 : i32
    scf.for %scan3A_453 = %scan3A to %scan3A_315 step %scan3A_316  : i32 {
      %get3A = arith.constant 0 : i32
      %get3A_454 = arith.index_cast %get3A : i32 to index
      %get3A_455 = arith.index_cast %scan3A_453 : i32 to index
      %get3A_456 = arith.constant 0 : index
      %get3A_457 = tpu.vector_load %arg6[%get3A_454, %get3A_455, %get3A_456] {strides = array<i32>} : memref<8x64x128xf32, #tpu.memory_space<vmem>>, vector<1x1x16xf32>,
      %get3A_458 = vector.shape_cast %get3A_457 : vector<1x1x16xf32> to vector<16xf32>
      %bitcast_convert_type3A = tpu.bitcast %get3A_458 : vector<16xf32> -> vector<16xi32>
      %get3A_459 = arith.constant 1 : i32
      %get3A_460 = arith.index_cast %get3A_459 : i32 to index
      %get3A_461 = arith.index_cast %scan3A_453 : i32 to index
      %get3A_462 = arith.constant 0 : index
      %get3A_463 = tpu.vector_load %arg6[%get3A_460, %get3A_461, %get3A_462] {strides = array<i32>} : memref<8x64x128xf32, #tpu.memory_space<vmem>>, vector<1x1x16xf32>,
      %get3A_464 = vector.shape_cast %get3A_463 : vector<1x1x16xf32> to vector<16xf32>
      %bitcast_convert_type3A_465 = tpu.bitcast %get3A_464 : vector<16xf32> -> vector<16xi32>
      %add3A_466 = arith.addi %bitcast_convert_type3A, %broadcast_in_dim3A_287 : vector<16xi32>
      %shift_right_logical3A = arith.constant 16 : i32
      %shift_right_logical3A_467 = vector.broadcast %shift_right_logical3A : i32 to vector<16xi32>
      %shift_right_logical3A_468 = arith.shrui %add3A_466, %shift_right_logical3A_467 : vector<16xi32>
      %add3A_469 = arith.addi %bitcast_convert_type3A_465, %broadcast_in_dim3A_287 : vector<16xi32>
      %and3A = arith.andi %add3A_469, %broadcast_in_dim3A_289 : vector<16xi32>
      %or3A = arith.ori %shift_right_logical3A_468, %and3A : vector<16xi32>
      %swap3A = arith.index_cast %scan3A_453 : i32 to index
      %swap3A_470 = arith.constant 0 : index
      %swap3A_471 = tpu.vector_load %arg7[%swap3A, %swap3A_470] {strides = array<i32>} : memref<64x128xi32, #tpu.memory_space<vmem>>, vector<1x16xi32>,
      %swap3A_472 = vector.shape_cast %swap3A_471 : vector<1x16xi32> to vector<16xi32>
      %swap3A_473 = vector.shape_cast %or3A : vector<16xi32> to vector<1x16xi32>
      tpu.vector_store %arg7[%swap3A, %swap3A_470], %swap3A_473 {strides = array<i32>} : memref<64x128xi32, #tpu.memory_space<vmem>>, vector<1x16xi32>,
      %get3A_474 = arith.constant 0 : i32
      %get3A_475 = arith.index_cast %get3A_474 : i32 to index
      %get3A_476 = arith.index_cast %scan3A_453 : i32 to index
      %get3A_477 = arith.constant 16 : index
      %get3A_478 = tpu.vector_load %arg6[%get3A_475, %get3A_476, %get3A_477] {strides = array<i32>} : memref<8x64x128xf32, #tpu.memory_space<vmem>>, vector<1x1x16xf32>,
      %get3A_479 = vector.shape_cast %get3A_478 : vector<1x1x16xf32> to vector<16xf32>
      %bitcast_convert_type3A_480 = tpu.bitcast %get3A_479 : vector<16xf32> -> vector<16xi32>
      %get3A_481 = arith.constant 1 : i32
      %get3A_482 = arith.index_cast %get3A_481 : i32 to index
      %get3A_483 = arith.index_cast %scan3A_453 : i32 to index
      %get3A_484 = arith.constant 16 : index
      %get3A_485 = tpu.vector_load %arg6[%get3A_482, %get3A_483, %get3A_484] {strides = array<i32>} : memref<8x64x128xf32, #tpu.memory_space<vmem>>, vector<1x1x16xf32>,
      %get3A_486 = vector.shape_cast %get3A_485 : vector<1x1x16xf32> to vector<16xf32>
      %bitcast_convert_type3A_487 = tpu.bitcast %get3A_486 : vector<16xf32> -> vector<16xi32>
      %add3A_488 = arith.addi %bitcast_convert_type3A_480, %broadcast_in_dim3A_287 : vector<16xi32>
      %shift_right_logical3A_489 = arith.constant 16 : i32
      %shift_right_logical3A_490 = vector.broadcast %shift_right_logical3A_489 : i32 to vector<16xi32>
      %shift_right_logical3A_491 = arith.shrui %add3A_488, %shift_right_logical3A_490 : vector<16xi32>
      %add3A_492 = arith.addi %bitcast_convert_type3A_487, %broadcast_in_dim3A_287 : vector<16xi32>
      %and3A_493 = arith.andi %add3A_492, %broadcast_in_dim3A_289 : vector<16xi32>
      %or3A_494 = arith.ori %shift_right_logical3A_491, %and3A_493 : vector<16xi32>
      %swap3A_495 = arith.index_cast %scan3A_453 : i32 to index
      %swap3A_496 = arith.constant 16 : index
      %swap3A_497 = tpu.vector_load %arg7[%swap3A_495, %swap3A_496] {strides = array<i32>} : memref<64x128xi32, #tpu.memory_space<vmem>>, vector<1x16xi32>,
      %swap3A_498 = vector.shape_cast %swap3A_497 : vector<1x16xi32> to vector<16xi32>
      %swap3A_499 = vector.shape_cast %or3A_494 : vector<16xi32> to vector<1x16xi32>
      tpu.vector_store %arg7[%swap3A_495, %swap3A_496], %swap3A_499 {strides = array<i32>} : memref<64x128xi32, #tpu.memory_space<vmem>>, vector<1x16xi32>,
      %get3A_500 = arith.constant 0 : i32
      %get3A_501 = arith.index_cast %get3A_500 : i32 to index
      %get3A_502 = arith.index_cast %scan3A_453 : i32 to index
      %get3A_503 = arith.constant 32 : index
      %get3A_504 = tpu.vector_load %arg6[%get3A_501, %get3A_502, %get3A_503] {strides = array<i32>} : memref<8x64x128xf32, #tpu.memory_space<vmem>>, vector<1x1x16xf32>,
      %get3A_505 = vector.shape_cast %get3A_504 : vector<1x1x16xf32> to vector<16xf32>
      %bitcast_convert_type3A_506 = tpu.bitcast %get3A_505 : vector<16xf32> -> vector<16xi32>
      %get3A_507 = arith.constant 1 : i32
      %get3A_508 = arith.index_cast %get3A_507 : i32 to index
      %get3A_509 = arith.index_cast %scan3A_453 : i32 to index
      %get3A_510 = arith.constant 32 : index
      %get3A_511 = tpu.vector_load %arg6[%get3A_508, %get3A_509, %get3A_510] {strides = array<i32>} : memref<8x64x128xf32, #tpu.memory_space<vmem>>, vector<1x1x16xf32>,
      %get3A_512 = vector.shape_cast %get3A_511 : vector<1x1x16xf32> to vector<16xf32>
      %bitcast_convert_type3A_513 = tpu.bitcast %get3A_512 : vector<16xf32> -> vector<16xi32>
      %add3A_514 = arith.addi %bitcast_convert_type3A_506, %broadcast_in_dim3A_287 : vector<16xi32>
      %shift_right_logical3A_515 = arith.constant 16 : i32
      %shift_right_logical3A_516 = vector.broadcast %shift_right_logical3A_515 : i32 to vector<16xi32>
      %shift_right_logical3A_517 = arith.shrui %add3A_514, %shift_right_logical3A_516 : vector<16xi32>
      %add3A_518 = arith.addi %bitcast_convert_type3A_513, %broadcast_in_dim3A_287 : vector<16xi32>
      %and3A_519 = arith.andi %add3A_518, %broadcast_in_dim3A_289 : vector<16xi32>
      %or3A_520 = arith.ori %shift_right_logical3A_517, %and3A_519 : vector<16xi32>
      %swap3A_521 = arith.index_cast %scan3A_453 : i32 to index
      %swap3A_522 = arith.constant 32 : index
      %swap3A_523 = tpu.vector_load %arg7[%swap3A_521, %swap3A_522] {strides = array<i32>} : memref<64x128xi32, #tpu.memory_space<vmem>>, vector<1x16xi32>,
      %swap3A_524 = vector.shape_cast %swap3A_523 : vector<1x16xi32> to vector<16xi32>
      %swap3A_525 = vector.shape_cast %or3A_520 : vector<16xi32> to vector<1x16xi32>
      tpu.vector_store %arg7[%swap3A_521, %swap3A_522], %swap3A_525 {strides = array<i32>} : memref<64x128xi32, #tpu.memory_space<vmem>>, vector<1x16xi32>,
      %get3A_526 = arith.constant 0 : i32
      %get3A_527 = arith.index_cast %get3A_526 : i32 to index
      %get3A_528 = arith.index_cast %scan3A_453 : i32 to index
      %get3A_529 = arith.constant 48 : index
      %get3A_530 = tpu.vector_load %arg6[%get3A_527, %get3A_528, %get3A_529] {strides = array<i32>} : memref<8x64x128xf32, #tpu.memory_space<vmem>>, vector<1x1x16xf32>,
      %get3A_531 = vector.shape_cast %get3A_530 : vector<1x1x16xf32> to vector<16xf32>
      %bitcast_convert_type3A_532 = tpu.bitcast %get3A_531 : vector<16xf32> -> vector<16xi32>
      %get3A_533 = arith.constant 1 : i32
      %get3A_534 = arith.index_cast %get3A_533 : i32 to index
      %get3A_535 = arith.index_cast %scan3A_453 : i32 to index
      %get3A_536 = arith.constant 48 : index
      %get3A_537 = tpu.vector_load %arg6[%get3A_534, %get3A_535, %get3A_536] {strides = array<i32>} : memref<8x64x128xf32, #tpu.memory_space<vmem>>, vector<1x1x16xf32>,
      %get3A_538 = vector.shape_cast %get3A_537 : vector<1x1x16xf32> to vector<16xf32>
      %bitcast_convert_type3A_539 = tpu.bitcast %get3A_538 : vector<16xf32> -> vector<16xi32>
      %add3A_540 = arith.addi %bitcast_convert_type3A_532, %broadcast_in_dim3A_287 : vector<16xi32>
      %shift_right_logical3A_541 = arith.constant 16 : i32
      %shift_right_logical3A_542 = vector.broadcast %shift_right_logical3A_541 : i32 to vector<16xi32>
      %shift_right_logical3A_543 = arith.shrui %add3A_540, %shift_right_logical3A_542 : vector<16xi32>
      %add3A_544 = arith.addi %bitcast_convert_type3A_539, %broadcast_in_dim3A_287 : vector<16xi32>
      %and3A_545 = arith.andi %add3A_544, %broadcast_in_dim3A_289 : vector<16xi32>
      %or3A_546 = arith.ori %shift_right_logical3A_543, %and3A_545 : vector<16xi32>
      %swap3A_547 = arith.index_cast %scan3A_453 : i32 to index
      %swap3A_548 = arith.constant 48 : index
      %swap3A_549 = tpu.vector_load %arg7[%swap3A_547, %swap3A_548] {strides = array<i32>} : memref<64x128xi32, #tpu.memory_space<vmem>>, vector<1x16xi32>,
      %swap3A_550 = vector.shape_cast %swap3A_549 : vector<1x16xi32> to vector<16xi32>
      %swap3A_551 = vector.shape_cast %or3A_546 : vector<16xi32> to vector<1x16xi32>
      tpu.vector_store %arg7[%swap3A_547, %swap3A_548], %swap3A_551 {strides = array<i32>} : memref<64x128xi32, #tpu.memory_space<vmem>>, vector<1x16xi32>,
      %get3A_552 = arith.constant 0 : i32
      %get3A_553 = arith.index_cast %get3A_552 : i32 to index
      %get3A_554 = arith.index_cast %scan3A_453 : i32 to index
      %get3A_555 = arith.constant 64 : index
      %get3A_556 = tpu.vector_load %arg6[%get3A_553, %get3A_554, %get3A_555] {strides = array<i32>} : memref<8x64x128xf32, #tpu.memory_space<vmem>>, vector<1x1x16xf32>,
      %get3A_557 = vector.shape_cast %get3A_556 : vector<1x1x16xf32> to vector<16xf32>
      %bitcast_convert_type3A_558 = tpu.bitcast %get3A_557 : vector<16xf32> -> vector<16xi32>
      %get3A_559 = arith.constant 1 : i32
      %get3A_560 = arith.index_cast %get3A_559 : i32 to index
      %get3A_561 = arith.index_cast %scan3A_453 : i32 to index
      %get3A_562 = arith.constant 64 : index
      %get3A_563 = tpu.vector_load %arg6[%get3A_560, %get3A_561, %get3A_562] {strides = array<i32>} : memref<8x64x128xf32, #tpu.memory_space<vmem>>, vector<1x1x16xf32>,
      %get3A_564 = vector.shape_cast %get3A_563 : vector<1x1x16xf32> to vector<16xf32>
      %bitcast_convert_type3A_565 = tpu.bitcast %get3A_564 : vector<16xf32> -> vector<16xi32>
      %add3A_566 = arith.addi %bitcast_convert_type3A_558, %broadcast_in_dim3A_287 : vector<16xi32>
      %shift_right_logical3A_567 = arith.constant 16 : i32
      %shift_right_logical3A_568 = vector.broadcast %shift_right_logical3A_567 : i32 to vector<16xi32>
      %shift_right_logical3A_569 = arith.shrui %add3A_566, %shift_right_logical3A_568 : vector<16xi32>
      %add3A_570 = arith.addi %bitcast_convert_type3A_565, %broadcast_in_dim3A_287 : vector<16xi32>
      %and3A_571 = arith.andi %add3A_570, %broadcast_in_dim3A_289 : vector<16xi32>
      %or3A_572 = arith.ori %shift_right_logical3A_569, %and3A_571 : vector<16xi32>
      %swap3A_573 = arith.index_cast %scan3A_453 : i32 to index
      %swap3A_574 = arith.constant 64 : index
      %swap3A_575 = tpu.vector_load %arg7[%swap3A_573, %swap3A_574] {strides = array<i32>} : memref<64x128xi32, #tpu.memory_space<vmem>>, vector<1x16xi32>,
      %swap3A_576 = vector.shape_cast %swap3A_575 : vector<1x16xi32> to vector<16xi32>
      %swap3A_577 = vector.shape_cast %or3A_572 : vector<16xi32> to vector<1x16xi32>
      tpu.vector_store %arg7[%swap3A_573, %swap3A_574], %swap3A_577 {strides = array<i32>} : memref<64x128xi32, #tpu.memory_space<vmem>>, vector<1x16xi32>,
      %get3A_578 = arith.constant 0 : i32
      %get3A_579 = arith.index_cast %get3A_578 : i32 to index
      %get3A_580 = arith.index_cast %scan3A_453 : i32 to index
      %get3A_581 = arith.constant 80 : index
      %get3A_582 = tpu.vector_load %arg6[%get3A_579, %get3A_580, %get3A_581] {strides = array<i32>} : memref<8x64x128xf32, #tpu.memory_space<vmem>>, vector<1x1x16xf32>,
      %get3A_583 = vector.shape_cast %get3A_582 : vector<1x1x16xf32> to vector<16xf32>
      %bitcast_convert_type3A_584 = tpu.bitcast %get3A_583 : vector<16xf32> -> vector<16xi32>
      %get3A_585 = arith.constant 1 : i32
      %get3A_586 = arith.index_cast %get3A_585 : i32 to index
      %get3A_587 = arith.index_cast %scan3A_453 : i32 to index
      %get3A_588 = arith.constant 80 : index
      %get3A_589 = tpu.vector_load %arg6[%get3A_586, %get3A_587, %get3A_588] {strides = array<i32>} : memref<8x64x128xf32, #tpu.memory_space<vmem>>, vector<1x1x16xf32>,
      %get3A_590 = vector.shape_cast %get3A_589 : vector<1x1x16xf32> to vector<16xf32>
      %bitcast_convert_type3A_591 = tpu.bitcast %get3A_590 : vector<16xf32> -> vector<16xi32>
      %add3A_592 = arith.addi %bitcast_convert_type3A_584, %broadcast_in_dim3A_287 : vector<16xi32>
      %shift_right_logical3A_593 = arith.constant 16 : i32
      %shift_right_logical3A_594 = vector.broadcast %shift_right_logical3A_593 : i32 to vector<16xi32>
      %shift_right_logical3A_595 = arith.shrui %add3A_592, %shift_right_logical3A_594 : vector<16xi32>
      %add3A_596 = arith.addi %bitcast_convert_type3A_591, %broadcast_in_dim3A_287 : vector<16xi32>
      %and3A_597 = arith.andi %add3A_596, %broadcast_in_dim3A_289 : vector<16xi32>
      %or3A_598 = arith.ori %shift_right_logical3A_595, %and3A_597 : vector<16xi32>
      %swap3A_599 = arith.index_cast %scan3A_453 : i32 to index
      %swap3A_600 = arith.constant 80 : index
      %swap3A_601 = tpu.vector_load %arg7[%swap3A_599, %swap3A_600] {strides = array<i32>} : memref<64x128xi32, #tpu.memory_space<vmem>>, vector<1x16xi32>,
      %swap3A_602 = vector.shape_cast %swap3A_601 : vector<1x16xi32> to vector<16xi32>
      %swap3A_603 = vector.shape_cast %or3A_598 : vector<16xi32> to vector<1x16xi32>
      tpu.vector_store %arg7[%swap3A_599, %swap3A_600], %swap3A_603 {strides = array<i32>} : memref<64x128xi32, #tpu.memory_space<vmem>>, vector<1x16xi32>,
      %get3A_604 = arith.constant 0 : i32
      %get3A_605 = arith.index_cast %get3A_604 : i32 to index
      %get3A_606 = arith.index_cast %scan3A_453 : i32 to index
      %get3A_607 = arith.constant 96 : index
      %get3A_608 = tpu.vector_load %arg6[%get3A_605, %get3A_606, %get3A_607] {strides = array<i32>} : memref<8x64x128xf32, #tpu.memory_space<vmem>>, vector<1x1x16xf32>,
      %get3A_609 = vector.shape_cast %get3A_608 : vector<1x1x16xf32> to vector<16xf32>
      %bitcast_convert_type3A_610 = tpu.bitcast %get3A_609 : vector<16xf32> -> vector<16xi32>
      %get3A_611 = arith.constant 1 : i32
      %get3A_612 = arith.index_cast %get3A_611 : i32 to index
      %get3A_613 = arith.index_cast %scan3A_453 : i32 to index
      %get3A_614 = arith.constant 96 : index
      %get3A_615 = tpu.vector_load %arg6[%get3A_612, %get3A_613, %get3A_614] {strides = array<i32>} : memref<8x64x128xf32, #tpu.memory_space<vmem>>, vector<1x1x16xf32>,
      %get3A_616 = vector.shape_cast %get3A_615 : vector<1x1x16xf32> to vector<16xf32>
      %bitcast_convert_type3A_617 = tpu.bitcast %get3A_616 : vector<16xf32> -> vector<16xi32>
      %add3A_618 = arith.addi %bitcast_convert_type3A_610, %broadcast_in_dim3A_287 : vector<16xi32>
      %shift_right_logical3A_619 = arith.constant 16 : i32
      %shift_right_logical3A_620 = vector.broadcast %shift_right_logical3A_619 : i32 to vector<16xi32>
      %shift_right_logical3A_621 = arith.shrui %add3A_618, %shift_right_logical3A_620 : vector<16xi32>
      %add3A_622 = arith.addi %bitcast_convert_type3A_617, %broadcast_in_dim3A_287 : vector<16xi32>
      %and3A_623 = arith.andi %add3A_622, %broadcast_in_dim3A_289 : vector<16xi32>
      %or3A_624 = arith.ori %shift_right_logical3A_621, %and3A_623 : vector<16xi32>
      %swap3A_625 = arith.index_cast %scan3A_453 : i32 to index
      %swap3A_626 = arith.constant 96 : index
      %swap3A_627 = tpu.vector_load %arg7[%swap3A_625, %swap3A_626] {strides = array<i32>} : memref<64x128xi32, #tpu.memory_space<vmem>>, vector<1x16xi32>,
      %swap3A_628 = vector.shape_cast %swap3A_627 : vector<1x16xi32> to vector<16xi32>
      %swap3A_629 = vector.shape_cast %or3A_624 : vector<16xi32> to vector<1x16xi32>
      tpu.vector_store %arg7[%swap3A_625, %swap3A_626], %swap3A_629 {strides = array<i32>} : memref<64x128xi32, #tpu.memory_space<vmem>>, vector<1x16xi32>,
      %get3A_630 = arith.constant 0 : i32
      %get3A_631 = arith.index_cast %get3A_630 : i32 to index
      %get3A_632 = arith.index_cast %scan3A_453 : i32 to index
      %get3A_633 = arith.constant 112 : index
      %get3A_634 = tpu.vector_load %arg6[%get3A_631, %get3A_632, %get3A_633] {strides = array<i32>} : memref<8x64x128xf32, #tpu.memory_space<vmem>>, vector<1x1x16xf32>,
      %get3A_635 = vector.shape_cast %get3A_634 : vector<1x1x16xf32> to vector<16xf32>
      %bitcast_convert_type3A_636 = tpu.bitcast %get3A_635 : vector<16xf32> -> vector<16xi32>
      %get3A_637 = arith.constant 1 : i32
      %get3A_638 = arith.index_cast %get3A_637 : i32 to index
      %get3A_639 = arith.index_cast %scan3A_453 : i32 to index
      %get3A_640 = arith.constant 112 : index
      %get3A_641 = tpu.vector_load %arg6[%get3A_638, %get3A_639, %get3A_640] {strides = array<i32>} : memref<8x64x128xf32, #tpu.memory_space<vmem>>, vector<1x1x16xf32>,
      %get3A_642 = vector.shape_cast %get3A_641 : vector<1x1x16xf32> to vector<16xf32>
      %bitcast_convert_type3A_643 = tpu.bitcast %get3A_642 : vector<16xf32> -> vector<16xi32>
      %add3A_644 = arith.addi %bitcast_convert_type3A_636, %broadcast_in_dim3A_287 : vector<16xi32>
      %shift_right_logical3A_645 = arith.constant 16 : i32
      %shift_right_logical3A_646 = vector.broadcast %shift_right_logical3A_645 : i32 to vector<16xi32>
      %shift_right_logical3A_647 = arith.shrui %add3A_644, %shift_right_logical3A_646 : vector<16xi32>
      %add3A_648 = arith.addi %bitcast_convert_type3A_643, %broadcast_in_dim3A_287 : vector<16xi32>
      %and3A_649 = arith.andi %add3A_648, %broadcast_in_dim3A_289 : vector<16xi32>
      %or3A_650 = arith.ori %shift_right_logical3A_647, %and3A_649 : vector<16xi32>
      %swap3A_651 = arith.index_cast %scan3A_453 : i32 to index
      %swap3A_652 = arith.constant 112 : index
      %swap3A_653 = tpu.vector_load %arg7[%swap3A_651, %swap3A_652] {strides = array<i32>} : memref<64x128xi32, #tpu.memory_space<vmem>>, vector<1x16xi32>,
      %swap3A_654 = vector.shape_cast %swap3A_653 : vector<1x16xi32> to vector<16xi32>
      %swap3A_655 = vector.shape_cast %or3A_650 : vector<16xi32> to vector<1x16xi32>
      tpu.vector_store %arg7[%swap3A_651, %swap3A_652], %swap3A_655 {strides = array<i32>} : memref<64x128xi32, #tpu.memory_space<vmem>>, vector<1x16xi32>,
    }
    %scan3A_317 = arith.constant 64 : i32
    %mul3A_318 = arith.constant 256 : i32
    %mul3A_319 = arith.muli %add3A, %mul3A_318 : i32
    %add3A_320 = arith.constant 0 : i32
    %add3A_321 = arith.addi %mul3A_319, %add3A_320 : i32
    %dma_start3A_322 = arith.constant 0 : i32
    %dma_start3A_323 = tpu.memref_slice %arg4[%add3A_321, %dma_start3A_322] : memref<8192x128xi32, #tpu.memory_space<hbm>> -> memref<64x128xi32, #tpu.memory_space<hbm>>
    %dma_start3A_324 = arith.constant 0 : i32
    %dma_start3A_325 = tpu.memref_slice %arg4[%add3A_321, %dma_start3A_324] : memref<8192x128xi32, #tpu.memory_space<hbm>> -> memref<64x128xi32, #tpu.memory_space<hbm>>
    tpu.enqueue_dma source(%arg7 : memref<64x128xi32, #tpu.memory_space<vmem>>) target(%dma_start3A_325 : memref<64x128xi32, #tpu.memory_space<hbm>>) target_semaphore(%arg9 : memref<!tpu.dma_semaphore, #tpu.memory_space<semaphore_mem>>)
    %dma_wait3A_326 = arith.constant 2 : i32
    %dma_wait3A_327 = arith.constant 2 : i32
    %dma_wait3A_328 = arith.constant 0 : i32
    %dma_wait3A_329 = arith.constant 0 : i32
    %dma_wait3A_330 = tpu.memref_slice %arg6[%dma_wait3A_327, %dma_wait3A_328, %dma_wait3A_329] : memref<8x64x128xf32, #tpu.memory_space<vmem>> -> memref<1x64x128xf32, #tpu.memory_space<vmem>>
    %dma_wait3A_331 = tpu.memref_squeeze %dma_wait3A_330 : memref<1x64x128xf32, #tpu.memory_space<vmem>> -> memref<64x128xf32, #tpu.memory_space<vmem>>
    %dma_wait3A_332 = arith.constant 0 : i32
    %dma_wait3A_333 = tpu.memref_slice %arg5[%dma_wait3A_326, %dma_wait3A_332] : memref<8x64xi32, #tpu.memory_space<vmem>> -> memref<1x64xi32, #tpu.memory_space<vmem>>
    %dma_wait3A_334 = tpu.memref_squeeze %dma_wait3A_333 : memref<1x64xi32, #tpu.memory_space<vmem>> -> memref<64xi32, #tpu.memory_space<vmem>>
    %dma_wait3A_335 = arith.constant 0 : i32
    %dma_wait3A_336 = arith.constant 0 : i32
    %dma_wait3A_337 = tpu.memref_slice %arg3[%dma_wait3A_335, %dma_wait3A_336] : memref<1000000x128xf32, #tpu.memory_space<hbm>> -> memref<1000000x128xf32, #tpu.memory_space<hbm>>
    tpu.wait_indirect_dma semaphore(%arg8 : memref<!tpu.dma_semaphore, #tpu.memory_space<semaphore_mem>>) src(%dma_wait3A_337 : memref<1000000x128xf32, #tpu.memory_space<hbm>>) dst(%dma_wait3A_331 : memref<64x128xf32, #tpu.memory_space<vmem>>)
    %dma_wait3A_338 = arith.constant 3 : i32
    %dma_wait3A_339 = arith.constant 3 : i32
    %dma_wait3A_340 = arith.constant 0 : i32
    %dma_wait3A_341 = arith.constant 0 : i32
    %dma_wait3A_342 = tpu.memref_slice %arg6[%dma_wait3A_339, %dma_wait3A_340, %dma_wait3A_341] : memref<8x64x128xf32, #tpu.memory_space<vmem>> -> memref<1x64x128xf32, #tpu.memory_space<vmem>>
    %dma_wait3A_343 = tpu.memref_squeeze %dma_wait3A_342 : memref<1x64x128xf32, #tpu.memory_space<vmem>> -> memref<64x128xf32, #tpu.memory_space<vmem>>
    %dma_wait3A_344 = arith.constant 0 : i32
    %dma_wait3A_345 = tpu.memref_slice %arg5[%dma_wait3A_338, %dma_wait3A_344] : memref<8x64xi32, #tpu.memory_space<vmem>> -> memref<1x64xi32, #tpu.memory_space<vmem>>
    %dma_wait3A_346 = tpu.memref_squeeze %dma_wait3A_345 : memref<1x64xi32, #tpu.memory_space<vmem>> -> memref<64xi32, #tpu.memory_space<vmem>>
    %dma_wait3A_347 = arith.constant 0 : i32
    %dma_wait3A_348 = arith.constant 0 : i32
    %dma_wait3A_349 = tpu.memref_slice %arg3[%dma_wait3A_347, %dma_wait3A_348] : memref<1000000x128xf32, #tpu.memory_space<hbm>> -> memref<1000000x128xf32, #tpu.memory_space<hbm>>
    tpu.wait_indirect_dma semaphore(%arg8 : memref<!tpu.dma_semaphore, #tpu.memory_space<semaphore_mem>>) src(%dma_wait3A_349 : memref<1000000x128xf32, #tpu.memory_space<hbm>>) dst(%dma_wait3A_343 : memref<64x128xf32, #tpu.memory_space<vmem>>)
    %dma_wait3A_350 = arith.constant 0 : i32
    %dma_wait3A_351 = tpu.memref_slice %arg4[%add3A_321, %dma_wait3A_350] : memref<8192x128xi32, #tpu.memory_space<hbm>> -> memref<64x128xi32, #tpu.memory_space<hbm>>
    %dma_wait3A_352 = arith.constant 0 : i32
    %dma_wait3A_353 = tpu.memref_slice %arg4[%add3A_321, %dma_wait3A_352] : memref<8192x128xi32, #tpu.memory_space<hbm>> -> memref<64x128xi32, #tpu.memory_space<hbm>>
    tpu.wait_dma2 semaphore(%arg9 : memref<!tpu.dma_semaphore, #tpu.memory_space<semaphore_mem>>) src(%arg7 : memref<64x128xi32, #tpu.memory_space<vmem>>) dst(%dma_wait3A_353 : memref<64x128xi32, #tpu.memory_space<hbm>>)
    %scan3A_354 = arith.constant 0 : i32
    %scan3A_355 = arith.constant 64 : i32
    %scan3A_356 = arith.addi %scan3A_354, %scan3A_355 : i32
    %scan3A_357 = arith.constant 1 : i32
    scf.for %scan3A_453 = %scan3A_354 to %scan3A_356 step %scan3A_357  : i32 {
      %get3A = arith.constant 2 : i32
      %get3A_454 = arith.index_cast %get3A : i32 to index
      %get3A_455 = arith.index_cast %scan3A_453 : i32 to index
      %get3A_456 = arith.constant 0 : index
      %get3A_457 = tpu.vector_load %arg6[%get3A_454, %get3A_455, %get3A_456] {strides = array<i32>} : memref<8x64x128xf32, #tpu.memory_space<vmem>>, vector<1x1x16xf32>,
      %get3A_458 = vector.shape_cast %get3A_457 : vector<1x1x16xf32> to vector<16xf32>
      %bitcast_convert_type3A = tpu.bitcast %get3A_458 : vector<16xf32> -> vector<16xi32>
      %get3A_459 = arith.constant 3 : i32
      %get3A_460 = arith.index_cast %get3A_459 : i32 to index
      %get3A_461 = arith.index_cast %scan3A_453 : i32 to index
      %get3A_462 = arith.constant 0 : index
      %get3A_463 = tpu.vector_load %arg6[%get3A_460, %get3A_461, %get3A_462] {strides = array<i32>} : memref<8x64x128xf32, #tpu.memory_space<vmem>>, vector<1x1x16xf32>,
      %get3A_464 = vector.shape_cast %get3A_463 : vector<1x1x16xf32> to vector<16xf32>
      %bitcast_convert_type3A_465 = tpu.bitcast %get3A_464 : vector<16xf32> -> vector<16xi32>
      %add3A_466 = arith.addi %bitcast_convert_type3A, %broadcast_in_dim3A_287 : vector<16xi32>
      %shift_right_logical3A = arith.constant 16 : i32
      %shift_right_logical3A_467 = vector.broadcast %shift_right_logical3A : i32 to vector<16xi32>
      %shift_right_logical3A_468 = arith.shrui %add3A_466, %shift_right_logical3A_467 : vector<16xi32>
      %add3A_469 = arith.addi %bitcast_convert_type3A_465, %broadcast_in_dim3A_287 : vector<16xi32>
      %and3A = arith.andi %add3A_469, %broadcast_in_dim3A_289 : vector<16xi32>
      %or3A = arith.ori %shift_right_logical3A_468, %and3A : vector<16xi32>
      %swap3A = arith.index_cast %scan3A_453 : i32 to index
      %swap3A_470 = arith.constant 0 : index
      %swap3A_471 = tpu.vector_load %arg7[%swap3A, %swap3A_470] {strides = array<i32>} : memref<64x128xi32, #tpu.memory_space<vmem>>, vector<1x16xi32>,
      %swap3A_472 = vector.shape_cast %swap3A_471 : vector<1x16xi32> to vector<16xi32>
      %swap3A_473 = vector.shape_cast %or3A : vector<16xi32> to vector<1x16xi32>
      tpu.vector_store %arg7[%swap3A, %swap3A_470], %swap3A_473 {strides = array<i32>} : memref<64x128xi32, #tpu.memory_space<vmem>>, vector<1x16xi32>,
      %get3A_474 = arith.constant 2 : i32
      %get3A_475 = arith.index_cast %get3A_474 : i32 to index
      %get3A_476 = arith.index_cast %scan3A_453 : i32 to index
      %get3A_477 = arith.constant 16 : index
      %get3A_478 = tpu.vector_load %arg6[%get3A_475, %get3A_476, %get3A_477] {strides = array<i32>} : memref<8x64x128xf32, #tpu.memory_space<vmem>>, vector<1x1x16xf32>,
      %get3A_479 = vector.shape_cast %get3A_478 : vector<1x1x16xf32> to vector<16xf32>
      %bitcast_convert_type3A_480 = tpu.bitcast %get3A_479 : vector<16xf32> -> vector<16xi32>
      %get3A_481 = arith.constant 3 : i32
      %get3A_482 = arith.index_cast %get3A_481 : i32 to index
      %get3A_483 = arith.index_cast %scan3A_453 : i32 to index
      %get3A_484 = arith.constant 16 : index
      %get3A_485 = tpu.vector_load %arg6[%get3A_482, %get3A_483, %get3A_484] {strides = array<i32>} : memref<8x64x128xf32, #tpu.memory_space<vmem>>, vector<1x1x16xf32>,
      %get3A_486 = vector.shape_cast %get3A_485 : vector<1x1x16xf32> to vector<16xf32>
      %bitcast_convert_type3A_487 = tpu.bitcast %get3A_486 : vector<16xf32> -> vector<16xi32>
      %add3A_488 = arith.addi %bitcast_convert_type3A_480, %broadcast_in_dim3A_287 : vector<16xi32>
      %shift_right_logical3A_489 = arith.constant 16 : i32
      %shift_right_logical3A_490 = vector.broadcast %shift_right_logical3A_489 : i32 to vector<16xi32>
      %shift_right_logical3A_491 = arith.shrui %add3A_488, %shift_right_logical3A_490 : vector<16xi32>
      %add3A_492 = arith.addi %bitcast_convert_type3A_487, %broadcast_in_dim3A_287 : vector<16xi32>
      %and3A_493 = arith.andi %add3A_492, %broadcast_in_dim3A_289 : vector<16xi32>
      %or3A_494 = arith.ori %shift_right_logical3A_491, %and3A_493 : vector<16xi32>
      %swap3A_495 = arith.index_cast %scan3A_453 : i32 to index
      %swap3A_496 = arith.constant 16 : index
      %swap3A_497 = tpu.vector_load %arg7[%swap3A_495, %swap3A_496] {strides = array<i32>} : memref<64x128xi32, #tpu.memory_space<vmem>>, vector<1x16xi32>,
      %swap3A_498 = vector.shape_cast %swap3A_497 : vector<1x16xi32> to vector<16xi32>
      %swap3A_499 = vector.shape_cast %or3A_494 : vector<16xi32> to vector<1x16xi32>
      tpu.vector_store %arg7[%swap3A_495, %swap3A_496], %swap3A_499 {strides = array<i32>} : memref<64x128xi32, #tpu.memory_space<vmem>>, vector<1x16xi32>,
      %get3A_500 = arith.constant 2 : i32
      %get3A_501 = arith.index_cast %get3A_500 : i32 to index
      %get3A_502 = arith.index_cast %scan3A_453 : i32 to index
      %get3A_503 = arith.constant 32 : index
      %get3A_504 = tpu.vector_load %arg6[%get3A_501, %get3A_502, %get3A_503] {strides = array<i32>} : memref<8x64x128xf32, #tpu.memory_space<vmem>>, vector<1x1x16xf32>,
      %get3A_505 = vector.shape_cast %get3A_504 : vector<1x1x16xf32> to vector<16xf32>
      %bitcast_convert_type3A_506 = tpu.bitcast %get3A_505 : vector<16xf32> -> vector<16xi32>
      %get3A_507 = arith.constant 3 : i32
      %get3A_508 = arith.index_cast %get3A_507 : i32 to index
      %get3A_509 = arith.index_cast %scan3A_453 : i32 to index
      %get3A_510 = arith.constant 32 : index
      %get3A_511 = tpu.vector_load %arg6[%get3A_508, %get3A_509, %get3A_510] {strides = array<i32>} : memref<8x64x128xf32, #tpu.memory_space<vmem>>, vector<1x1x16xf32>,
      %get3A_512 = vector.shape_cast %get3A_511 : vector<1x1x16xf32> to vector<16xf32>
      %bitcast_convert_type3A_513 = tpu.bitcast %get3A_512 : vector<16xf32> -> vector<16xi32>
      %add3A_514 = arith.addi %bitcast_convert_type3A_506, %broadcast_in_dim3A_287 : vector<16xi32>
      %shift_right_logical3A_515 = arith.constant 16 : i32
      %shift_right_logical3A_516 = vector.broadcast %shift_right_logical3A_515 : i32 to vector<16xi32>
      %shift_right_logical3A_517 = arith.shrui %add3A_514, %shift_right_logical3A_516 : vector<16xi32>
      %add3A_518 = arith.addi %bitcast_convert_type3A_513, %broadcast_in_dim3A_287 : vector<16xi32>
      %and3A_519 = arith.andi %add3A_518, %broadcast_in_dim3A_289 : vector<16xi32>
      %or3A_520 = arith.ori %shift_right_logical3A_517, %and3A_519 : vector<16xi32>
      %swap3A_521 = arith.index_cast %scan3A_453 : i32 to index
      %swap3A_522 = arith.constant 32 : index
      %swap3A_523 = tpu.vector_load %arg7[%swap3A_521, %swap3A_522] {strides = array<i32>} : memref<64x128xi32, #tpu.memory_space<vmem>>, vector<1x16xi32>,
      %swap3A_524 = vector.shape_cast %swap3A_523 : vector<1x16xi32> to vector<16xi32>
      %swap3A_525 = vector.shape_cast %or3A_520 : vector<16xi32> to vector<1x16xi32>
      tpu.vector_store %arg7[%swap3A_521, %swap3A_522], %swap3A_525 {strides = array<i32>} : memref<64x128xi32, #tpu.memory_space<vmem>>, vector<1x16xi32>,
      %get3A_526 = arith.constant 2 : i32
      %get3A_527 = arith.index_cast %get3A_526 : i32 to index
      %get3A_528 = arith.index_cast %scan3A_453 : i32 to index
      %get3A_529 = arith.constant 48 : index
      %get3A_530 = tpu.vector_load %arg6[%get3A_527, %get3A_528, %get3A_529] {strides = array<i32>} : memref<8x64x128xf32, #tpu.memory_space<vmem>>, vector<1x1x16xf32>,
      %get3A_531 = vector.shape_cast %get3A_530 : vector<1x1x16xf32> to vector<16xf32>
      %bitcast_convert_type3A_532 = tpu.bitcast %get3A_531 : vector<16xf32> -> vector<16xi32>
      %get3A_533 = arith.constant 3 : i32
      %get3A_534 = arith.index_cast %get3A_533 : i32 to index
      %get3A_535 = arith.index_cast %scan3A_453 : i32 to index
      %get3A_536 = arith.constant 48 : index
      %get3A_537 = tpu.vector_load %arg6[%get3A_534, %get3A_535, %get3A_536] {strides = array<i32>} : memref<8x64x128xf32, #tpu.memory_space<vmem>>, vector<1x1x16xf32>,
      %get3A_538 = vector.shape_cast %get3A_537 : vector<1x1x16xf32> to vector<16xf32>
      %bitcast_convert_type3A_539 = tpu.bitcast %get3A_538 : vector<16xf32> -> vector<16xi32>
      %add3A_540 = arith.addi %bitcast_convert_type3A_532, %broadcast_in_dim3A_287 : vector<16xi32>
      %shift_right_logical3A_541 = arith.constant 16 : i32
      %shift_right_logical3A_542 = vector.broadcast %shift_right_logical3A_541 : i32 to vector<16xi32>
      %shift_right_logical3A_543 = arith.shrui %add3A_540, %shift_right_logical3A_542 : vector<16xi32>
      %add3A_544 = arith.addi %bitcast_convert_type3A_539, %broadcast_in_dim3A_287 : vector<16xi32>
      %and3A_545 = arith.andi %add3A_544, %broadcast_in_dim3A_289 : vector<16xi32>
      %or3A_546 = arith.ori %shift_right_logical3A_543, %and3A_545 : vector<16xi32>
      %swap3A_547 = arith.index_cast %scan3A_453 : i32 to index
      %swap3A_548 = arith.constant 48 : index
      %swap3A_549 = tpu.vector_load %arg7[%swap3A_547, %swap3A_548] {strides = array<i32>} : memref<64x128xi32, #tpu.memory_space<vmem>>, vector<1x16xi32>,
      %swap3A_550 = vector.shape_cast %swap3A_549 : vector<1x16xi32> to vector<16xi32>
      %swap3A_551 = vector.shape_cast %or3A_546 : vector<16xi32> to vector<1x16xi32>
      tpu.vector_store %arg7[%swap3A_547, %swap3A_548], %swap3A_551 {strides = array<i32>} : memref<64x128xi32, #tpu.memory_space<vmem>>, vector<1x16xi32>,
      %get3A_552 = arith.constant 2 : i32
      %get3A_553 = arith.index_cast %get3A_552 : i32 to index
      %get3A_554 = arith.index_cast %scan3A_453 : i32 to index
      %get3A_555 = arith.constant 64 : index
      %get3A_556 = tpu.vector_load %arg6[%get3A_553, %get3A_554, %get3A_555] {strides = array<i32>} : memref<8x64x128xf32, #tpu.memory_space<vmem>>, vector<1x1x16xf32>,
      %get3A_557 = vector.shape_cast %get3A_556 : vector<1x1x16xf32> to vector<16xf32>
      %bitcast_convert_type3A_558 = tpu.bitcast %get3A_557 : vector<16xf32> -> vector<16xi32>
      %get3A_559 = arith.constant 3 : i32
      %get3A_560 = arith.index_cast %get3A_559 : i32 to index
      %get3A_561 = arith.index_cast %scan3A_453 : i32 to index
      %get3A_562 = arith.constant 64 : index
      %get3A_563 = tpu.vector_load %arg6[%get3A_560, %get3A_561, %get3A_562] {strides = array<i32>} : memref<8x64x128xf32, #tpu.memory_space<vmem>>, vector<1x1x16xf32>,
      %get3A_564 = vector.shape_cast %get3A_563 : vector<1x1x16xf32> to vector<16xf32>
      %bitcast_convert_type3A_565 = tpu.bitcast %get3A_564 : vector<16xf32> -> vector<16xi32>
      %add3A_566 = arith.addi %bitcast_convert_type3A_558, %broadcast_in_dim3A_287 : vector<16xi32>
      %shift_right_logical3A_567 = arith.constant 16 : i32
      %shift_right_logical3A_568 = vector.broadcast %shift_right_logical3A_567 : i32 to vector<16xi32>
      %shift_right_logical3A_569 = arith.shrui %add3A_566, %shift_right_logical3A_568 : vector<16xi32>
      %add3A_570 = arith.addi %bitcast_convert_type3A_565, %broadcast_in_dim3A_287 : vector<16xi32>
      %and3A_571 = arith.andi %add3A_570, %broadcast_in_dim3A_289 : vector<16xi32>
      %or3A_572 = arith.ori %shift_right_logical3A_569, %and3A_571 : vector<16xi32>
      %swap3A_573 = arith.index_cast %scan3A_453 : i32 to index
      %swap3A_574 = arith.constant 64 : index
      %swap3A_575 = tpu.vector_load %arg7[%swap3A_573, %swap3A_574] {strides = array<i32>} : memref<64x128xi32, #tpu.memory_space<vmem>>, vector<1x16xi32>,
      %swap3A_576 = vector.shape_cast %swap3A_575 : vector<1x16xi32> to vector<16xi32>
      %swap3A_577 = vector.shape_cast %or3A_572 : vector<16xi32> to vector<1x16xi32>
      tpu.vector_store %arg7[%swap3A_573, %swap3A_574], %swap3A_577 {strides = array<i32>} : memref<64x128xi32, #tpu.memory_space<vmem>>, vector<1x16xi32>,
      %get3A_578 = arith.constant 2 : i32
      %get3A_579 = arith.index_cast %get3A_578 : i32 to index
      %get3A_580 = arith.index_cast %scan3A_453 : i32 to index
      %get3A_581 = arith.constant 80 : index
      %get3A_582 = tpu.vector_load %arg6[%get3A_579, %get3A_580, %get3A_581] {strides = array<i32>} : memref<8x64x128xf32, #tpu.memory_space<vmem>>, vector<1x1x16xf32>,
      %get3A_583 = vector.shape_cast %get3A_582 : vector<1x1x16xf32> to vector<16xf32>
      %bitcast_convert_type3A_584 = tpu.bitcast %get3A_583 : vector<16xf32> -> vector<16xi32>
      %get3A_585 = arith.constant 3 : i32
      %get3A_586 = arith.index_cast %get3A_585 : i32 to index
      %get3A_587 = arith.index_cast %scan3A_453 : i32 to index
      %get3A_588 = arith.constant 80 : index
      %get3A_589 = tpu.vector_load %arg6[%get3A_586, %get3A_587, %get3A_588] {strides = array<i32>} : memref<8x64x128xf32, #tpu.memory_space<vmem>>, vector<1x1x16xf32>,
      %get3A_590 = vector.shape_cast %get3A_589 : vector<1x1x16xf32> to vector<16xf32>
      %bitcast_convert_type3A_591 = tpu.bitcast %get3A_590 : vector<16xf32> -> vector<16xi32>
      %add3A_592 = arith.addi %bitcast_convert_type3A_584, %broadcast_in_dim3A_287 : vector<16xi32>
      %shift_right_logical3A_593 = arith.constant 16 : i32
      %shift_right_logical3A_594 = vector.broadcast %shift_right_logical3A_593 : i32 to vector<16xi32>
      %shift_right_logical3A_595 = arith.shrui %add3A_592, %shift_right_logical3A_594 : vector<16xi32>
      %add3A_596 = arith.addi %bitcast_convert_type3A_591, %broadcast_in_dim3A_287 : vector<16xi32>
      %and3A_597 = arith.andi %add3A_596, %broadcast_in_dim3A_289 : vector<16xi32>
      %or3A_598 = arith.ori %shift_right_logical3A_595, %and3A_597 : vector<16xi32>
      %swap3A_599 = arith.index_cast %scan3A_453 : i32 to index
      %swap3A_600 = arith.constant 80 : index
      %swap3A_601 = tpu.vector_load %arg7[%swap3A_599, %swap3A_600] {strides = array<i32>} : memref<64x128xi32, #tpu.memory_space<vmem>>, vector<1x16xi32>,
      %swap3A_602 = vector.shape_cast %swap3A_601 : vector<1x16xi32> to vector<16xi32>
      %swap3A_603 = vector.shape_cast %or3A_598 : vector<16xi32> to vector<1x16xi32>
      tpu.vector_store %arg7[%swap3A_599, %swap3A_600], %swap3A_603 {strides = array<i32>} : memref<64x128xi32, #tpu.memory_space<vmem>>, vector<1x16xi32>,
      %get3A_604 = arith.constant 2 : i32
      %get3A_605 = arith.index_cast %get3A_604 : i32 to index
      %get3A_606 = arith.index_cast %scan3A_453 : i32 to index
      %get3A_607 = arith.constant 96 : index
      %get3A_608 = tpu.vector_load %arg6[%get3A_605, %get3A_606, %get3A_607] {strides = array<i32>} : memref<8x64x128xf32, #tpu.memory_space<vmem>>, vector<1x1x16xf32>,
      %get3A_609 = vector.shape_cast %get3A_608 : vector<1x1x16xf32> to vector<16xf32>
      %bitcast_convert_type3A_610 = tpu.bitcast %get3A_609 : vector<16xf32> -> vector<16xi32>
      %get3A_611 = arith.constant 3 : i32
      %get3A_612 = arith.index_cast %get3A_611 : i32 to index
      %get3A_613 = arith.index_cast %scan3A_453 : i32 to index
      %get3A_614 = arith.constant 96 : index
      %get3A_615 = tpu.vector_load %arg6[%get3A_612, %get3A_613, %get3A_614] {strides = array<i32>} : memref<8x64x128xf32, #tpu.memory_space<vmem>>, vector<1x1x16xf32>,
      %get3A_616 = vector.shape_cast %get3A_615 : vector<1x1x16xf32> to vector<16xf32>
      %bitcast_convert_type3A_617 = tpu.bitcast %get3A_616 : vector<16xf32> -> vector<16xi32>
      %add3A_618 = arith.addi %bitcast_convert_type3A_610, %broadcast_in_dim3A_287 : vector<16xi32>
      %shift_right_logical3A_619 = arith.constant 16 : i32
      %shift_right_logical3A_620 = vector.broadcast %shift_right_logical3A_619 : i32 to vector<16xi32>
      %shift_right_logical3A_621 = arith.shrui %add3A_618, %shift_right_logical3A_620 : vector<16xi32>
      %add3A_622 = arith.addi %bitcast_convert_type3A_617, %broadcast_in_dim3A_287 : vector<16xi32>
      %and3A_623 = arith.andi %add3A_622, %broadcast_in_dim3A_289 : vector<16xi32>
      %or3A_624 = arith.ori %shift_right_logical3A_621, %and3A_623 : vector<16xi32>
      %swap3A_625 = arith.index_cast %scan3A_453 : i32 to index
      %swap3A_626 = arith.constant 96 : index
      %swap3A_627 = tpu.vector_load %arg7[%swap3A_625, %swap3A_626] {strides = array<i32>} : memref<64x128xi32, #tpu.memory_space<vmem>>, vector<1x16xi32>,
      %swap3A_628 = vector.shape_cast %swap3A_627 : vector<1x16xi32> to vector<16xi32>
      %swap3A_629 = vector.shape_cast %or3A_624 : vector<16xi32> to vector<1x16xi32>
      tpu.vector_store %arg7[%swap3A_625, %swap3A_626], %swap3A_629 {strides = array<i32>} : memref<64x128xi32, #tpu.memory_space<vmem>>, vector<1x16xi32>,
      %get3A_630 = arith.constant 2 : i32
      %get3A_631 = arith.index_cast %get3A_630 : i32 to index
      %get3A_632 = arith.index_cast %scan3A_453 : i32 to index
      %get3A_633 = arith.constant 112 : index
      %get3A_634 = tpu.vector_load %arg6[%get3A_631, %get3A_632, %get3A_633] {strides = array<i32>} : memref<8x64x128xf32, #tpu.memory_space<vmem>>, vector<1x1x16xf32>,
      %get3A_635 = vector.shape_cast %get3A_634 : vector<1x1x16xf32> to vector<16xf32>
      %bitcast_convert_type3A_636 = tpu.bitcast %get3A_635 : vector<16xf32> -> vector<16xi32>
      %get3A_637 = arith.constant 3 : i32
      %get3A_638 = arith.index_cast %get3A_637 : i32 to index
      %get3A_639 = arith.index_cast %scan3A_453 : i32 to index
      %get3A_640 = arith.constant 112 : index
      %get3A_641 = tpu.vector_load %arg6[%get3A_638, %get3A_639, %get3A_640] {strides = array<i32>} : memref<8x64x128xf32, #tpu.memory_space<vmem>>, vector<1x1x16xf32>,
      %get3A_642 = vector.shape_cast %get3A_641 : vector<1x1x16xf32> to vector<16xf32>
      %bitcast_convert_type3A_643 = tpu.bitcast %get3A_642 : vector<16xf32> -> vector<16xi32>
      %add3A_644 = arith.addi %bitcast_convert_type3A_636, %broadcast_in_dim3A_287 : vector<16xi32>
      %shift_right_logical3A_645 = arith.constant 16 : i32
      %shift_right_logical3A_646 = vector.broadcast %shift_right_logical3A_645 : i32 to vector<16xi32>
      %shift_right_logical3A_647 = arith.shrui %add3A_644, %shift_right_logical3A_646 : vector<16xi32>
      %add3A_648 = arith.addi %bitcast_convert_type3A_643, %broadcast_in_dim3A_287 : vector<16xi32>
      %and3A_649 = arith.andi %add3A_648, %broadcast_in_dim3A_289 : vector<16xi32>
      %or3A_650 = arith.ori %shift_right_logical3A_647, %and3A_649 : vector<16xi32>
      %swap3A_651 = arith.index_cast %scan3A_453 : i32 to index
      %swap3A_652 = arith.constant 112 : index
      %swap3A_653 = tpu.vector_load %arg7[%swap3A_651, %swap3A_652] {strides = array<i32>} : memref<64x128xi32, #tpu.memory_space<vmem>>, vector<1x16xi32>,
      %swap3A_654 = vector.shape_cast %swap3A_653 : vector<1x16xi32> to vector<16xi32>
      %swap3A_655 = vector.shape_cast %or3A_650 : vector<16xi32> to vector<1x16xi32>
      tpu.vector_store %arg7[%swap3A_651, %swap3A_652], %swap3A_655 {strides = array<i32>} : memref<64x128xi32, #tpu.memory_space<vmem>>, vector<1x16xi32>,
    }
    %scan3A_358 = arith.constant 64 : i32
    %mul3A_359 = arith.constant 256 : i32
    %mul3A_360 = arith.muli %add3A, %mul3A_359 : i32
    %add3A_361 = arith.constant 64 : i32
    %add3A_362 = arith.addi %mul3A_360, %add3A_361 : i32
    %dma_start3A_363 = arith.constant 0 : i32
    %dma_start3A_364 = tpu.memref_slice %arg4[%add3A_362, %dma_start3A_363] : memref<8192x128xi32, #tpu.memory_space<hbm>> -> memref<64x128xi32, #tpu.memory_space<hbm>>
    %dma_start3A_365 = arith.constant 0 : i32
    %dma_start3A_366 = tpu.memref_slice %arg4[%add3A_362, %dma_start3A_365] : memref<8192x128xi32, #tpu.memory_space<hbm>> -> memref<64x128xi32, #tpu.memory_space<hbm>>
    tpu.enqueue_dma source(%arg7 : memref<64x128xi32, #tpu.memory_space<vmem>>) target(%dma_start3A_366 : memref<64x128xi32, #tpu.memory_space<hbm>>) target_semaphore(%arg9 : memref<!tpu.dma_semaphore, #tpu.memory_space<semaphore_mem>>)
    %dma_wait3A_367 = arith.constant 4 : i32
    %dma_wait3A_368 = arith.constant 4 : i32
    %dma_wait3A_369 = arith.constant 0 : i32
    %dma_wait3A_370 = arith.constant 0 : i32
    %dma_wait3A_371 = tpu.memref_slice %arg6[%dma_wait3A_368, %dma_wait3A_369, %dma_wait3A_370] : memref<8x64x128xf32, #tpu.memory_space<vmem>> -> memref<1x64x128xf32, #tpu.memory_space<vmem>>
    %dma_wait3A_372 = tpu.memref_squeeze %dma_wait3A_371 : memref<1x64x128xf32, #tpu.memory_space<vmem>> -> memref<64x128xf32, #tpu.memory_space<vmem>>
    %dma_wait3A_373 = arith.constant 0 : i32
    %dma_wait3A_374 = tpu.memref_slice %arg5[%dma_wait3A_367, %dma_wait3A_373] : memref<8x64xi32, #tpu.memory_space<vmem>> -> memref<1x64xi32, #tpu.memory_space<vmem>>
    %dma_wait3A_375 = tpu.memref_squeeze %dma_wait3A_374 : memref<1x64xi32, #tpu.memory_space<vmem>> -> memref<64xi32, #tpu.memory_space<vmem>>
    %dma_wait3A_376 = arith.constant 0 : i32
    %dma_wait3A_377 = arith.constant 0 : i32
    %dma_wait3A_378 = tpu.memref_slice %arg3[%dma_wait3A_376, %dma_wait3A_377] : memref<1000000x128xf32, #tpu.memory_space<hbm>> -> memref<1000000x128xf32, #tpu.memory_space<hbm>>
    tpu.wait_indirect_dma semaphore(%arg8 : memref<!tpu.dma_semaphore, #tpu.memory_space<semaphore_mem>>) src(%dma_wait3A_378 : memref<1000000x128xf32, #tpu.memory_space<hbm>>) dst(%dma_wait3A_372 : memref<64x128xf32, #tpu.memory_space<vmem>>)
    %dma_wait3A_379 = arith.constant 5 : i32
    %dma_wait3A_380 = arith.constant 5 : i32
    %dma_wait3A_381 = arith.constant 0 : i32
    %dma_wait3A_382 = arith.constant 0 : i32
    %dma_wait3A_383 = tpu.memref_slice %arg6[%dma_wait3A_380, %dma_wait3A_381, %dma_wait3A_382] : memref<8x64x128xf32, #tpu.memory_space<vmem>> -> memref<1x64x128xf32, #tpu.memory_space<vmem>>
    %dma_wait3A_384 = tpu.memref_squeeze %dma_wait3A_383 : memref<1x64x128xf32, #tpu.memory_space<vmem>> -> memref<64x128xf32, #tpu.memory_space<vmem>>
    %dma_wait3A_385 = arith.constant 0 : i32
    %dma_wait3A_386 = tpu.memref_slice %arg5[%dma_wait3A_379, %dma_wait3A_385] : memref<8x64xi32, #tpu.memory_space<vmem>> -> memref<1x64xi32, #tpu.memory_space<vmem>>
    %dma_wait3A_387 = tpu.memref_squeeze %dma_wait3A_386 : memref<1x64xi32, #tpu.memory_space<vmem>> -> memref<64xi32, #tpu.memory_space<vmem>>
    %dma_wait3A_388 = arith.constant 0 : i32
    %dma_wait3A_389 = arith.constant 0 : i32
    %dma_wait3A_390 = tpu.memref_slice %arg3[%dma_wait3A_388, %dma_wait3A_389] : memref<1000000x128xf32, #tpu.memory_space<hbm>> -> memref<1000000x128xf32, #tpu.memory_space<hbm>>
    tpu.wait_indirect_dma semaphore(%arg8 : memref<!tpu.dma_semaphore, #tpu.memory_space<semaphore_mem>>) src(%dma_wait3A_390 : memref<1000000x128xf32, #tpu.memory_space<hbm>>) dst(%dma_wait3A_384 : memref<64x128xf32, #tpu.memory_space<vmem>>)
    %dma_wait3A_391 = arith.constant 0 : i32
    %dma_wait3A_392 = tpu.memref_slice %arg4[%add3A_362, %dma_wait3A_391] : memref<8192x128xi32, #tpu.memory_space<hbm>> -> memref<64x128xi32, #tpu.memory_space<hbm>>
    %dma_wait3A_393 = arith.constant 0 : i32
    %dma_wait3A_394 = tpu.memref_slice %arg4[%add3A_362, %dma_wait3A_393] : memref<8192x128xi32, #tpu.memory_space<hbm>> -> memref<64x128xi32, #tpu.memory_space<hbm>>
    tpu.wait_dma2 semaphore(%arg9 : memref<!tpu.dma_semaphore, #tpu.memory_space<semaphore_mem>>) src(%arg7 : memref<64x128xi32, #tpu.memory_space<vmem>>) dst(%dma_wait3A_394 : memref<64x128xi32, #tpu.memory_space<hbm>>)
    %scan3A_395 = arith.constant 0 : i32
    %scan3A_396 = arith.constant 64 : i32
    %scan3A_397 = arith.addi %scan3A_395, %scan3A_396 : i32
    %scan3A_398 = arith.constant 1 : i32
    scf.for %scan3A_453 = %scan3A_395 to %scan3A_397 step %scan3A_398  : i32 {
      %get3A = arith.constant 4 : i32
      %get3A_454 = arith.index_cast %get3A : i32 to index
      %get3A_455 = arith.index_cast %scan3A_453 : i32 to index
      %get3A_456 = arith.constant 0 : index
      %get3A_457 = tpu.vector_load %arg6[%get3A_454, %get3A_455, %get3A_456] {strides = array<i32>} : memref<8x64x128xf32, #tpu.memory_space<vmem>>, vector<1x1x16xf32>,
      %get3A_458 = vector.shape_cast %get3A_457 : vector<1x1x16xf32> to vector<16xf32>
      %bitcast_convert_type3A = tpu.bitcast %get3A_458 : vector<16xf32> -> vector<16xi32>
      %get3A_459 = arith.constant 5 : i32
      %get3A_460 = arith.index_cast %get3A_459 : i32 to index
      %get3A_461 = arith.index_cast %scan3A_453 : i32 to index
      %get3A_462 = arith.constant 0 : index
      %get3A_463 = tpu.vector_load %arg6[%get3A_460, %get3A_461, %get3A_462] {strides = array<i32>} : memref<8x64x128xf32, #tpu.memory_space<vmem>>, vector<1x1x16xf32>,
      %get3A_464 = vector.shape_cast %get3A_463 : vector<1x1x16xf32> to vector<16xf32>
      %bitcast_convert_type3A_465 = tpu.bitcast %get3A_464 : vector<16xf32> -> vector<16xi32>
      %add3A_466 = arith.addi %bitcast_convert_type3A, %broadcast_in_dim3A_287 : vector<16xi32>
      %shift_right_logical3A = arith.constant 16 : i32
      %shift_right_logical3A_467 = vector.broadcast %shift_right_logical3A : i32 to vector<16xi32>
      %shift_right_logical3A_468 = arith.shrui %add3A_466, %shift_right_logical3A_467 : vector<16xi32>
      %add3A_469 = arith.addi %bitcast_convert_type3A_465, %broadcast_in_dim3A_287 : vector<16xi32>
      %and3A = arith.andi %add3A_469, %broadcast_in_dim3A_289 : vector<16xi32>
      %or3A = arith.ori %shift_right_logical3A_468, %and3A : vector<16xi32>
      %swap3A = arith.index_cast %scan3A_453 : i32 to index
      %swap3A_470 = arith.constant 0 : index
      %swap3A_471 = tpu.vector_load %arg7[%swap3A, %swap3A_470] {strides = array<i32>} : memref<64x128xi32, #tpu.memory_space<vmem>>, vector<1x16xi32>,
      %swap3A_472 = vector.shape_cast %swap3A_471 : vector<1x16xi32> to vector<16xi32>
      %swap3A_473 = vector.shape_cast %or3A : vector<16xi32> to vector<1x16xi32>
      tpu.vector_store %arg7[%swap3A, %swap3A_470], %swap3A_473 {strides = array<i32>} : memref<64x128xi32, #tpu.memory_space<vmem>>, vector<1x16xi32>,
      %get3A_474 = arith.constant 4 : i32
      %get3A_475 = arith.index_cast %get3A_474 : i32 to index
      %get3A_476 = arith.index_cast %scan3A_453 : i32 to index
      %get3A_477 = arith.constant 16 : index
      %get3A_478 = tpu.vector_load %arg6[%get3A_475, %get3A_476, %get3A_477] {strides = array<i32>} : memref<8x64x128xf32, #tpu.memory_space<vmem>>, vector<1x1x16xf32>,
      %get3A_479 = vector.shape_cast %get3A_478 : vector<1x1x16xf32> to vector<16xf32>
      %bitcast_convert_type3A_480 = tpu.bitcast %get3A_479 : vector<16xf32> -> vector<16xi32>
      %get3A_481 = arith.constant 5 : i32
      %get3A_482 = arith.index_cast %get3A_481 : i32 to index
      %get3A_483 = arith.index_cast %scan3A_453 : i32 to index
      %get3A_484 = arith.constant 16 : index
      %get3A_485 = tpu.vector_load %arg6[%get3A_482, %get3A_483, %get3A_484] {strides = array<i32>} : memref<8x64x128xf32, #tpu.memory_space<vmem>>, vector<1x1x16xf32>,
      %get3A_486 = vector.shape_cast %get3A_485 : vector<1x1x16xf32> to vector<16xf32>
      %bitcast_convert_type3A_487 = tpu.bitcast %get3A_486 : vector<16xf32> -> vector<16xi32>
      %add3A_488 = arith.addi %bitcast_convert_type3A_480, %broadcast_in_dim3A_287 : vector<16xi32>
      %shift_right_logical3A_489 = arith.constant 16 : i32
      %shift_right_logical3A_490 = vector.broadcast %shift_right_logical3A_489 : i32 to vector<16xi32>
      %shift_right_logical3A_491 = arith.shrui %add3A_488, %shift_right_logical3A_490 : vector<16xi32>
      %add3A_492 = arith.addi %bitcast_convert_type3A_487, %broadcast_in_dim3A_287 : vector<16xi32>
      %and3A_493 = arith.andi %add3A_492, %broadcast_in_dim3A_289 : vector<16xi32>
      %or3A_494 = arith.ori %shift_right_logical3A_491, %and3A_493 : vector<16xi32>
      %swap3A_495 = arith.index_cast %scan3A_453 : i32 to index
      %swap3A_496 = arith.constant 16 : index
      %swap3A_497 = tpu.vector_load %arg7[%swap3A_495, %swap3A_496] {strides = array<i32>} : memref<64x128xi32, #tpu.memory_space<vmem>>, vector<1x16xi32>,
      %swap3A_498 = vector.shape_cast %swap3A_497 : vector<1x16xi32> to vector<16xi32>
      %swap3A_499 = vector.shape_cast %or3A_494 : vector<16xi32> to vector<1x16xi32>
      tpu.vector_store %arg7[%swap3A_495, %swap3A_496], %swap3A_499 {strides = array<i32>} : memref<64x128xi32, #tpu.memory_space<vmem>>, vector<1x16xi32>,
      %get3A_500 = arith.constant 4 : i32
      %get3A_501 = arith.index_cast %get3A_500 : i32 to index
      %get3A_502 = arith.index_cast %scan3A_453 : i32 to index
      %get3A_503 = arith.constant 32 : index
      %get3A_504 = tpu.vector_load %arg6[%get3A_501, %get3A_502, %get3A_503] {strides = array<i32>} : memref<8x64x128xf32, #tpu.memory_space<vmem>>, vector<1x1x16xf32>,
      %get3A_505 = vector.shape_cast %get3A_504 : vector<1x1x16xf32> to vector<16xf32>
      %bitcast_convert_type3A_506 = tpu.bitcast %get3A_505 : vector<16xf32> -> vector<16xi32>
      %get3A_507 = arith.constant 5 : i32
      %get3A_508 = arith.index_cast %get3A_507 : i32 to index
      %get3A_509 = arith.index_cast %scan3A_453 : i32 to index
      %get3A_510 = arith.constant 32 : index
      %get3A_511 = tpu.vector_load %arg6[%get3A_508, %get3A_509, %get3A_510] {strides = array<i32>} : memref<8x64x128xf32, #tpu.memory_space<vmem>>, vector<1x1x16xf32>,
      %get3A_512 = vector.shape_cast %get3A_511 : vector<1x1x16xf32> to vector<16xf32>
      %bitcast_convert_type3A_513 = tpu.bitcast %get3A_512 : vector<16xf32> -> vector<16xi32>
      %add3A_514 = arith.addi %bitcast_convert_type3A_506, %broadcast_in_dim3A_287 : vector<16xi32>
      %shift_right_logical3A_515 = arith.constant 16 : i32
      %shift_right_logical3A_516 = vector.broadcast %shift_right_logical3A_515 : i32 to vector<16xi32>
      %shift_right_logical3A_517 = arith.shrui %add3A_514, %shift_right_logical3A_516 : vector<16xi32>
      %add3A_518 = arith.addi %bitcast_convert_type3A_513, %broadcast_in_dim3A_287 : vector<16xi32>
      %and3A_519 = arith.andi %add3A_518, %broadcast_in_dim3A_289 : vector<16xi32>
      %or3A_520 = arith.ori %shift_right_logical3A_517, %and3A_519 : vector<16xi32>
      %swap3A_521 = arith.index_cast %scan3A_453 : i32 to index
      %swap3A_522 = arith.constant 32 : index
      %swap3A_523 = tpu.vector_load %arg7[%swap3A_521, %swap3A_522] {strides = array<i32>} : memref<64x128xi32, #tpu.memory_space<vmem>>, vector<1x16xi32>,
      %swap3A_524 = vector.shape_cast %swap3A_523 : vector<1x16xi32> to vector<16xi32>
      %swap3A_525 = vector.shape_cast %or3A_520 : vector<16xi32> to vector<1x16xi32>
      tpu.vector_store %arg7[%swap3A_521, %swap3A_522], %swap3A_525 {strides = array<i32>} : memref<64x128xi32, #tpu.memory_space<vmem>>, vector<1x16xi32>,
      %get3A_526 = arith.constant 4 : i32
      %get3A_527 = arith.index_cast %get3A_526 : i32 to index
      %get3A_528 = arith.index_cast %scan3A_453 : i32 to index
      %get3A_529 = arith.constant 48 : index
      %get3A_530 = tpu.vector_load %arg6[%get3A_527, %get3A_528, %get3A_529] {strides = array<i32>} : memref<8x64x128xf32, #tpu.memory_space<vmem>>, vector<1x1x16xf32>,
      %get3A_531 = vector.shape_cast %get3A_530 : vector<1x1x16xf32> to vector<16xf32>
      %bitcast_convert_type3A_532 = tpu.bitcast %get3A_531 : vector<16xf32> -> vector<16xi32>
      %get3A_533 = arith.constant 5 : i32
      %get3A_534 = arith.index_cast %get3A_533 : i32 to index
      %get3A_535 = arith.index_cast %scan3A_453 : i32 to index
      %get3A_536 = arith.constant 48 : index
      %get3A_537 = tpu.vector_load %arg6[%get3A_534, %get3A_535, %get3A_536] {strides = array<i32>} : memref<8x64x128xf32, #tpu.memory_space<vmem>>, vector<1x1x16xf32>,
      %get3A_538 = vector.shape_cast %get3A_537 : vector<1x1x16xf32> to vector<16xf32>
      %bitcast_convert_type3A_539 = tpu.bitcast %get3A_538 : vector<16xf32> -> vector<16xi32>
      %add3A_540 = arith.addi %bitcast_convert_type3A_532, %broadcast_in_dim3A_287 : vector<16xi32>
      %shift_right_logical3A_541 = arith.constant 16 : i32
      %shift_right_logical3A_542 = vector.broadcast %shift_right_logical3A_541 : i32 to vector<16xi32>
      %shift_right_logical3A_543 = arith.shrui %add3A_540, %shift_right_logical3A_542 : vector<16xi32>
      %add3A_544 = arith.addi %bitcast_convert_type3A_539, %broadcast_in_dim3A_287 : vector<16xi32>
      %and3A_545 = arith.andi %add3A_544, %broadcast_in_dim3A_289 : vector<16xi32>
      %or3A_546 = arith.ori %shift_right_logical3A_543, %and3A_545 : vector<16xi32>
      %swap3A_547 = arith.index_cast %scan3A_453 : i32 to index
      %swap3A_548 = arith.constant 48 : index
      %swap3A_549 = tpu.vector_load %arg7[%swap3A_547, %swap3A_548] {strides = array<i32>} : memref<64x128xi32, #tpu.memory_space<vmem>>, vector<1x16xi32>,
      %swap3A_550 = vector.shape_cast %swap3A_549 : vector<1x16xi32> to vector<16xi32>
      %swap3A_551 = vector.shape_cast %or3A_546 : vector<16xi32> to vector<1x16xi32>
      tpu.vector_store %arg7[%swap3A_547, %swap3A_548], %swap3A_551 {strides = array<i32>} : memref<64x128xi32, #tpu.memory_space<vmem>>, vector<1x16xi32>,
      %get3A_552 = arith.constant 4 : i32
      %get3A_553 = arith.index_cast %get3A_552 : i32 to index
      %get3A_554 = arith.index_cast %scan3A_453 : i32 to index
      %get3A_555 = arith.constant 64 : index
      %get3A_556 = tpu.vector_load %arg6[%get3A_553, %get3A_554, %get3A_555] {strides = array<i32>} : memref<8x64x128xf32, #tpu.memory_space<vmem>>, vector<1x1x16xf32>,
      %get3A_557 = vector.shape_cast %get3A_556 : vector<1x1x16xf32> to vector<16xf32>
      %bitcast_convert_type3A_558 = tpu.bitcast %get3A_557 : vector<16xf32> -> vector<16xi32>
      %get3A_559 = arith.constant 5 : i32
      %get3A_560 = arith.index_cast %get3A_559 : i32 to index
      %get3A_561 = arith.index_cast %scan3A_453 : i32 to index
      %get3A_562 = arith.constant 64 : index
      %get3A_563 = tpu.vector_load %arg6[%get3A_560, %get3A_561, %get3A_562] {strides = array<i32>} : memref<8x64x128xf32, #tpu.memory_space<vmem>>, vector<1x1x16xf32>,
      %get3A_564 = vector.shape_cast %get3A_563 : vector<1x1x16xf32> to vector<16xf32>
      %bitcast_convert_type3A_565 = tpu.bitcast %get3A_564 : vector<16xf32> -> vector<16xi32>
      %add3A_566 = arith.addi %bitcast_convert_type3A_558, %broadcast_in_dim3A_287 : vector<16xi32>
      %shift_right_logical3A_567 = arith.constant 16 : i32
      %shift_right_logical3A_568 = vector.broadcast %shift_right_logical3A_567 : i32 to vector<16xi32>
      %shift_right_logical3A_569 = arith.shrui %add3A_566, %shift_right_logical3A_568 : vector<16xi32>
      %add3A_570 = arith.addi %bitcast_convert_type3A_565, %broadcast_in_dim3A_287 : vector<16xi32>
      %and3A_571 = arith.andi %add3A_570, %broadcast_in_dim3A_289 : vector<16xi32>
      %or3A_572 = arith.ori %shift_right_logical3A_569, %and3A_571 : vector<16xi32>
      %swap3A_573 = arith.index_cast %scan3A_453 : i32 to index
      %swap3A_574 = arith.constant 64 : index
      %swap3A_575 = tpu.vector_load %arg7[%swap3A_573, %swap3A_574] {strides = array<i32>} : memref<64x128xi32, #tpu.memory_space<vmem>>, vector<1x16xi32>,
      %swap3A_576 = vector.shape_cast %swap3A_575 : vector<1x16xi32> to vector<16xi32>
      %swap3A_577 = vector.shape_cast %or3A_572 : vector<16xi32> to vector<1x16xi32>
      tpu.vector_store %arg7[%swap3A_573, %swap3A_574], %swap3A_577 {strides = array<i32>} : memref<64x128xi32, #tpu.memory_space<vmem>>, vector<1x16xi32>,
      %get3A_578 = arith.constant 4 : i32
      %get3A_579 = arith.index_cast %get3A_578 : i32 to index
      %get3A_580 = arith.index_cast %scan3A_453 : i32 to index
      %get3A_581 = arith.constant 80 : index
      %get3A_582 = tpu.vector_load %arg6[%get3A_579, %get3A_580, %get3A_581] {strides = array<i32>} : memref<8x64x128xf32, #tpu.memory_space<vmem>>, vector<1x1x16xf32>,
      %get3A_583 = vector.shape_cast %get3A_582 : vector<1x1x16xf32> to vector<16xf32>
      %bitcast_convert_type3A_584 = tpu.bitcast %get3A_583 : vector<16xf32> -> vector<16xi32>
      %get3A_585 = arith.constant 5 : i32
      %get3A_586 = arith.index_cast %get3A_585 : i32 to index
      %get3A_587 = arith.index_cast %scan3A_453 : i32 to index
      %get3A_588 = arith.constant 80 : index
      %get3A_589 = tpu.vector_load %arg6[%get3A_586, %get3A_587, %get3A_588] {strides = array<i32>} : memref<8x64x128xf32, #tpu.memory_space<vmem>>, vector<1x1x16xf32>,
      %get3A_590 = vector.shape_cast %get3A_589 : vector<1x1x16xf32> to vector<16xf32>
      %bitcast_convert_type3A_591 = tpu.bitcast %get3A_590 : vector<16xf32> -> vector<16xi32>
      %add3A_592 = arith.addi %bitcast_convert_type3A_584, %broadcast_in_dim3A_287 : vector<16xi32>
      %shift_right_logical3A_593 = arith.constant 16 : i32
      %shift_right_logical3A_594 = vector.broadcast %shift_right_logical3A_593 : i32 to vector<16xi32>
      %shift_right_logical3A_595 = arith.shrui %add3A_592, %shift_right_logical3A_594 : vector<16xi32>
      %add3A_596 = arith.addi %bitcast_convert_type3A_591, %broadcast_in_dim3A_287 : vector<16xi32>
      %and3A_597 = arith.andi %add3A_596, %broadcast_in_dim3A_289 : vector<16xi32>
      %or3A_598 = arith.ori %shift_right_logical3A_595, %and3A_597 : vector<16xi32>
      %swap3A_599 = arith.index_cast %scan3A_453 : i32 to index
      %swap3A_600 = arith.constant 80 : index
      %swap3A_601 = tpu.vector_load %arg7[%swap3A_599, %swap3A_600] {strides = array<i32>} : memref<64x128xi32, #tpu.memory_space<vmem>>, vector<1x16xi32>,
      %swap3A_602 = vector.shape_cast %swap3A_601 : vector<1x16xi32> to vector<16xi32>
      %swap3A_603 = vector.shape_cast %or3A_598 : vector<16xi32> to vector<1x16xi32>
      tpu.vector_store %arg7[%swap3A_599, %swap3A_600], %swap3A_603 {strides = array<i32>} : memref<64x128xi32, #tpu.memory_space<vmem>>, vector<1x16xi32>,
      %get3A_604 = arith.constant 4 : i32
      %get3A_605 = arith.index_cast %get3A_604 : i32 to index
      %get3A_606 = arith.index_cast %scan3A_453 : i32 to index
      %get3A_607 = arith.constant 96 : index
      %get3A_608 = tpu.vector_load %arg6[%get3A_605, %get3A_606, %get3A_607] {strides = array<i32>} : memref<8x64x128xf32, #tpu.memory_space<vmem>>, vector<1x1x16xf32>,
      %get3A_609 = vector.shape_cast %get3A_608 : vector<1x1x16xf32> to vector<16xf32>
      %bitcast_convert_type3A_610 = tpu.bitcast %get3A_609 : vector<16xf32> -> vector<16xi32>
      %get3A_611 = arith.constant 5 : i32
      %get3A_612 = arith.index_cast %get3A_611 : i32 to index
      %get3A_613 = arith.index_cast %scan3A_453 : i32 to index
      %get3A_614 = arith.constant 96 : index
      %get3A_615 = tpu.vector_load %arg6[%get3A_612, %get3A_613, %get3A_614] {strides = array<i32>} : memref<8x64x128xf32, #tpu.memory_space<vmem>>, vector<1x1x16xf32>,
      %get3A_616 = vector.shape_cast %get3A_615 : vector<1x1x16xf32> to vector<16xf32>
      %bitcast_convert_type3A_617 = tpu.bitcast %get3A_616 : vector<16xf32> -> vector<16xi32>
      %add3A_618 = arith.addi %bitcast_convert_type3A_610, %broadcast_in_dim3A_287 : vector<16xi32>
      %shift_right_logical3A_619 = arith.constant 16 : i32
      %shift_right_logical3A_620 = vector.broadcast %shift_right_logical3A_619 : i32 to vector<16xi32>
      %shift_right_logical3A_621 = arith.shrui %add3A_618, %shift_right_logical3A_620 : vector<16xi32>
      %add3A_622 = arith.addi %bitcast_convert_type3A_617, %broadcast_in_dim3A_287 : vector<16xi32>
      %and3A_623 = arith.andi %add3A_622, %broadcast_in_dim3A_289 : vector<16xi32>
      %or3A_624 = arith.ori %shift_right_logical3A_621, %and3A_623 : vector<16xi32>
      %swap3A_625 = arith.index_cast %scan3A_453 : i32 to index
      %swap3A_626 = arith.constant 96 : index
      %swap3A_627 = tpu.vector_load %arg7[%swap3A_625, %swap3A_626] {strides = array<i32>} : memref<64x128xi32, #tpu.memory_space<vmem>>, vector<1x16xi32>,
      %swap3A_628 = vector.shape_cast %swap3A_627 : vector<1x16xi32> to vector<16xi32>
      %swap3A_629 = vector.shape_cast %or3A_624 : vector<16xi32> to vector<1x16xi32>
      tpu.vector_store %arg7[%swap3A_625, %swap3A_626], %swap3A_629 {strides = array<i32>} : memref<64x128xi32, #tpu.memory_space<vmem>>, vector<1x16xi32>,
      %get3A_630 = arith.constant 4 : i32
      %get3A_631 = arith.index_cast %get3A_630 : i32 to index
      %get3A_632 = arith.index_cast %scan3A_453 : i32 to index
      %get3A_633 = arith.constant 112 : index
      %get3A_634 = tpu.vector_load %arg6[%get3A_631, %get3A_632, %get3A_633] {strides = array<i32>} : memref<8x64x128xf32, #tpu.memory_space<vmem>>, vector<1x1x16xf32>,
      %get3A_635 = vector.shape_cast %get3A_634 : vector<1x1x16xf32> to vector<16xf32>
      %bitcast_convert_type3A_636 = tpu.bitcast %get3A_635 : vector<16xf32> -> vector<16xi32>
      %get3A_637 = arith.constant 5 : i32
      %get3A_638 = arith.index_cast %get3A_637 : i32 to index
      %get3A_639 = arith.index_cast %scan3A_453 : i32 to index
      %get3A_640 = arith.constant 112 : index
      %get3A_641 = tpu.vector_load %arg6[%get3A_638, %get3A_639, %get3A_640] {strides = array<i32>} : memref<8x64x128xf32, #tpu.memory_space<vmem>>, vector<1x1x16xf32>,
      %get3A_642 = vector.shape_cast %get3A_641 : vector<1x1x16xf32> to vector<16xf32>
      %bitcast_convert_type3A_643 = tpu.bitcast %get3A_642 : vector<16xf32> -> vector<16xi32>
      %add3A_644 = arith.addi %bitcast_convert_type3A_636, %broadcast_in_dim3A_287 : vector<16xi32>
      %shift_right_logical3A_645 = arith.constant 16 : i32
      %shift_right_logical3A_646 = vector.broadcast %shift_right_logical3A_645 : i32 to vector<16xi32>
      %shift_right_logical3A_647 = arith.shrui %add3A_644, %shift_right_logical3A_646 : vector<16xi32>
      %add3A_648 = arith.addi %bitcast_convert_type3A_643, %broadcast_in_dim3A_287 : vector<16xi32>
      %and3A_649 = arith.andi %add3A_648, %broadcast_in_dim3A_289 : vector<16xi32>
      %or3A_650 = arith.ori %shift_right_logical3A_647, %and3A_649 : vector<16xi32>
      %swap3A_651 = arith.index_cast %scan3A_453 : i32 to index
      %swap3A_652 = arith.constant 112 : index
      %swap3A_653 = tpu.vector_load %arg7[%swap3A_651, %swap3A_652] {strides = array<i32>} : memref<64x128xi32, #tpu.memory_space<vmem>>, vector<1x16xi32>,
      %swap3A_654 = vector.shape_cast %swap3A_653 : vector<1x16xi32> to vector<16xi32>
      %swap3A_655 = vector.shape_cast %or3A_650 : vector<16xi32> to vector<1x16xi32>
      tpu.vector_store %arg7[%swap3A_651, %swap3A_652], %swap3A_655 {strides = array<i32>} : memref<64x128xi32, #tpu.memory_space<vmem>>, vector<1x16xi32>,
    }
    %scan3A_399 = arith.constant 64 : i32
    %mul3A_400 = arith.constant 256 : i32
    %mul3A_401 = arith.muli %add3A, %mul3A_400 : i32
    %add3A_402 = arith.constant 128 : i32
    %add3A_403 = arith.addi %mul3A_401, %add3A_402 : i32
    %dma_start3A_404 = arith.constant 0 : i32
    %dma_start3A_405 = tpu.memref_slice %arg4[%add3A_403, %dma_start3A_404] : memref<8192x128xi32, #tpu.memory_space<hbm>> -> memref<64x128xi32, #tpu.memory_space<hbm>>
    %dma_start3A_406 = arith.constant 0 : i32
    %dma_start3A_407 = tpu.memref_slice %arg4[%add3A_403, %dma_start3A_406] : memref<8192x128xi32, #tpu.memory_space<hbm>> -> memref<64x128xi32, #tpu.memory_space<hbm>>
    tpu.enqueue_dma source(%arg7 : memref<64x128xi32, #tpu.memory_space<vmem>>) target(%dma_start3A_407 : memref<64x128xi32, #tpu.memory_space<hbm>>) target_semaphore(%arg9 : memref<!tpu.dma_semaphore, #tpu.memory_space<semaphore_mem>>)
    %dma_wait3A_408 = arith.constant 6 : i32
    %dma_wait3A_409 = arith.constant 6 : i32
    %dma_wait3A_410 = arith.constant 0 : i32
    %dma_wait3A_411 = arith.constant 0 : i32
    %dma_wait3A_412 = tpu.memref_slice %arg6[%dma_wait3A_409, %dma_wait3A_410, %dma_wait3A_411] : memref<8x64x128xf32, #tpu.memory_space<vmem>> -> memref<1x64x128xf32, #tpu.memory_space<vmem>>
    %dma_wait3A_413 = tpu.memref_squeeze %dma_wait3A_412 : memref<1x64x128xf32, #tpu.memory_space<vmem>> -> memref<64x128xf32, #tpu.memory_space<vmem>>
    %dma_wait3A_414 = arith.constant 0 : i32
    %dma_wait3A_415 = tpu.memref_slice %arg5[%dma_wait3A_408, %dma_wait3A_414] : memref<8x64xi32, #tpu.memory_space<vmem>> -> memref<1x64xi32, #tpu.memory_space<vmem>>
    %dma_wait3A_416 = tpu.memref_squeeze %dma_wait3A_415 : memref<1x64xi32, #tpu.memory_space<vmem>> -> memref<64xi32, #tpu.memory_space<vmem>>
    %dma_wait3A_417 = arith.constant 0 : i32
    %dma_wait3A_418 = arith.constant 0 : i32
    %dma_wait3A_419 = tpu.memref_slice %arg3[%dma_wait3A_417, %dma_wait3A_418] : memref<1000000x128xf32, #tpu.memory_space<hbm>> -> memref<1000000x128xf32, #tpu.memory_space<hbm>>
    tpu.wait_indirect_dma semaphore(%arg8 : memref<!tpu.dma_semaphore, #tpu.memory_space<semaphore_mem>>) src(%dma_wait3A_419 : memref<1000000x128xf32, #tpu.memory_space<hbm>>) dst(%dma_wait3A_413 : memref<64x128xf32, #tpu.memory_space<vmem>>)
    %dma_wait3A_420 = arith.constant 7 : i32
    %dma_wait3A_421 = arith.constant 7 : i32
    %dma_wait3A_422 = arith.constant 0 : i32
    %dma_wait3A_423 = arith.constant 0 : i32
    %dma_wait3A_424 = tpu.memref_slice %arg6[%dma_wait3A_421, %dma_wait3A_422, %dma_wait3A_423] : memref<8x64x128xf32, #tpu.memory_space<vmem>> -> memref<1x64x128xf32, #tpu.memory_space<vmem>>
    %dma_wait3A_425 = tpu.memref_squeeze %dma_wait3A_424 : memref<1x64x128xf32, #tpu.memory_space<vmem>> -> memref<64x128xf32, #tpu.memory_space<vmem>>
    %dma_wait3A_426 = arith.constant 0 : i32
    %dma_wait3A_427 = tpu.memref_slice %arg5[%dma_wait3A_420, %dma_wait3A_426] : memref<8x64xi32, #tpu.memory_space<vmem>> -> memref<1x64xi32, #tpu.memory_space<vmem>>
    %dma_wait3A_428 = tpu.memref_squeeze %dma_wait3A_427 : memref<1x64xi32, #tpu.memory_space<vmem>> -> memref<64xi32, #tpu.memory_space<vmem>>
    %dma_wait3A_429 = arith.constant 0 : i32
    %dma_wait3A_430 = arith.constant 0 : i32
    %dma_wait3A_431 = tpu.memref_slice %arg3[%dma_wait3A_429, %dma_wait3A_430] : memref<1000000x128xf32, #tpu.memory_space<hbm>> -> memref<1000000x128xf32, #tpu.memory_space<hbm>>
    tpu.wait_indirect_dma semaphore(%arg8 : memref<!tpu.dma_semaphore, #tpu.memory_space<semaphore_mem>>) src(%dma_wait3A_431 : memref<1000000x128xf32, #tpu.memory_space<hbm>>) dst(%dma_wait3A_425 : memref<64x128xf32, #tpu.memory_space<vmem>>)
    %dma_wait3A_432 = arith.constant 0 : i32
    %dma_wait3A_433 = tpu.memref_slice %arg4[%add3A_403, %dma_wait3A_432] : memref<8192x128xi32, #tpu.memory_space<hbm>> -> memref<64x128xi32, #tpu.memory_space<hbm>>
    %dma_wait3A_434 = arith.constant 0 : i32
    %dma_wait3A_435 = tpu.memref_slice %arg4[%add3A_403, %dma_wait3A_434] : memref<8192x128xi32, #tpu.memory_space<hbm>> -> memref<64x128xi32, #tpu.memory_space<hbm>>
    tpu.wait_dma2 semaphore(%arg9 : memref<!tpu.dma_semaphore, #tpu.memory_space<semaphore_mem>>) src(%arg7 : memref<64x128xi32, #tpu.memory_space<vmem>>) dst(%dma_wait3A_435 : memref<64x128xi32, #tpu.memory_space<hbm>>)
    %scan3A_436 = arith.constant 0 : i32
    %scan3A_437 = arith.constant 64 : i32
    %scan3A_438 = arith.addi %scan3A_436, %scan3A_437 : i32
    %scan3A_439 = arith.constant 1 : i32
    scf.for %scan3A_453 = %scan3A_436 to %scan3A_438 step %scan3A_439  : i32 {
      %get3A = arith.constant 6 : i32
      %get3A_454 = arith.index_cast %get3A : i32 to index
      %get3A_455 = arith.index_cast %scan3A_453 : i32 to index
      %get3A_456 = arith.constant 0 : index
      %get3A_457 = tpu.vector_load %arg6[%get3A_454, %get3A_455, %get3A_456] {strides = array<i32>} : memref<8x64x128xf32, #tpu.memory_space<vmem>>, vector<1x1x16xf32>,
      %get3A_458 = vector.shape_cast %get3A_457 : vector<1x1x16xf32> to vector<16xf32>
      %bitcast_convert_type3A = tpu.bitcast %get3A_458 : vector<16xf32> -> vector<16xi32>
      %get3A_459 = arith.constant 7 : i32
      %get3A_460 = arith.index_cast %get3A_459 : i32 to index
      %get3A_461 = arith.index_cast %scan3A_453 : i32 to index
      %get3A_462 = arith.constant 0 : index
      %get3A_463 = tpu.vector_load %arg6[%get3A_460, %get3A_461, %get3A_462] {strides = array<i32>} : memref<8x64x128xf32, #tpu.memory_space<vmem>>, vector<1x1x16xf32>,
      %get3A_464 = vector.shape_cast %get3A_463 : vector<1x1x16xf32> to vector<16xf32>
      %bitcast_convert_type3A_465 = tpu.bitcast %get3A_464 : vector<16xf32> -> vector<16xi32>
      %add3A_466 = arith.addi %bitcast_convert_type3A, %broadcast_in_dim3A_287 : vector<16xi32>
      %shift_right_logical3A = arith.constant 16 : i32
      %shift_right_logical3A_467 = vector.broadcast %shift_right_logical3A : i32 to vector<16xi32>
      %shift_right_logical3A_468 = arith.shrui %add3A_466, %shift_right_logical3A_467 : vector<16xi32>
      %add3A_469 = arith.addi %bitcast_convert_type3A_465, %broadcast_in_dim3A_287 : vector<16xi32>
      %and3A = arith.andi %add3A_469, %broadcast_in_dim3A_289 : vector<16xi32>
      %or3A = arith.ori %shift_right_logical3A_468, %and3A : vector<16xi32>
      %swap3A = arith.index_cast %scan3A_453 : i32 to index
      %swap3A_470 = arith.constant 0 : index
      %swap3A_471 = tpu.vector_load %arg7[%swap3A, %swap3A_470] {strides = array<i32>} : memref<64x128xi32, #tpu.memory_space<vmem>>, vector<1x16xi32>,
      %swap3A_472 = vector.shape_cast %swap3A_471 : vector<1x16xi32> to vector<16xi32>
      %swap3A_473 = vector.shape_cast %or3A : vector<16xi32> to vector<1x16xi32>
      tpu.vector_store %arg7[%swap3A, %swap3A_470], %swap3A_473 {strides = array<i32>} : memref<64x128xi32, #tpu.memory_space<vmem>>, vector<1x16xi32>,
      %get3A_474 = arith.constant 6 : i32
      %get3A_475 = arith.index_cast %get3A_474 : i32 to index
      %get3A_476 = arith.index_cast %scan3A_453 : i32 to index
      %get3A_477 = arith.constant 16 : index
      %get3A_478 = tpu.vector_load %arg6[%get3A_475, %get3A_476, %get3A_477] {strides = array<i32>} : memref<8x64x128xf32, #tpu.memory_space<vmem>>, vector<1x1x16xf32>,
      %get3A_479 = vector.shape_cast %get3A_478 : vector<1x1x16xf32> to vector<16xf32>
      %bitcast_convert_type3A_480 = tpu.bitcast %get3A_479 : vector<16xf32> -> vector<16xi32>
      %get3A_481 = arith.constant 7 : i32
      %get3A_482 = arith.index_cast %get3A_481 : i32 to index
      %get3A_483 = arith.index_cast %scan3A_453 : i32 to index
      %get3A_484 = arith.constant 16 : index
      %get3A_485 = tpu.vector_load %arg6[%get3A_482, %get3A_483, %get3A_484] {strides = array<i32>} : memref<8x64x128xf32, #tpu.memory_space<vmem>>, vector<1x1x16xf32>,
      %get3A_486 = vector.shape_cast %get3A_485 : vector<1x1x16xf32> to vector<16xf32>
      %bitcast_convert_type3A_487 = tpu.bitcast %get3A_486 : vector<16xf32> -> vector<16xi32>
      %add3A_488 = arith.addi %bitcast_convert_type3A_480, %broadcast_in_dim3A_287 : vector<16xi32>
      %shift_right_logical3A_489 = arith.constant 16 : i32
      %shift_right_logical3A_490 = vector.broadcast %shift_right_logical3A_489 : i32 to vector<16xi32>
      %shift_right_logical3A_491 = arith.shrui %add3A_488, %shift_right_logical3A_490 : vector<16xi32>
      %add3A_492 = arith.addi %bitcast_convert_type3A_487, %broadcast_in_dim3A_287 : vector<16xi32>
      %and3A_493 = arith.andi %add3A_492, %broadcast_in_dim3A_289 : vector<16xi32>
      %or3A_494 = arith.ori %shift_right_logical3A_491, %and3A_493 : vector<16xi32>
      %swap3A_495 = arith.index_cast %scan3A_453 : i32 to index
      %swap3A_496 = arith.constant 16 : index
      %swap3A_497 = tpu.vector_load %arg7[%swap3A_495, %swap3A_496] {strides = array<i32>} : memref<64x128xi32, #tpu.memory_space<vmem>>, vector<1x16xi32>,
      %swap3A_498 = vector.shape_cast %swap3A_497 : vector<1x16xi32> to vector<16xi32>
      %swap3A_499 = vector.shape_cast %or3A_494 : vector<16xi32> to vector<1x16xi32>
      tpu.vector_store %arg7[%swap3A_495, %swap3A_496], %swap3A_499 {strides = array<i32>} : memref<64x128xi32, #tpu.memory_space<vmem>>, vector<1x16xi32>,
      %get3A_500 = arith.constant 6 : i32
      %get3A_501 = arith.index_cast %get3A_500 : i32 to index
      %get3A_502 = arith.index_cast %scan3A_453 : i32 to index
      %get3A_503 = arith.constant 32 : index
      %get3A_504 = tpu.vector_load %arg6[%get3A_501, %get3A_502, %get3A_503] {strides = array<i32>} : memref<8x64x128xf32, #tpu.memory_space<vmem>>, vector<1x1x16xf32>,
      %get3A_505 = vector.shape_cast %get3A_504 : vector<1x1x16xf32> to vector<16xf32>
      %bitcast_convert_type3A_506 = tpu.bitcast %get3A_505 : vector<16xf32> -> vector<16xi32>
      %get3A_507 = arith.constant 7 : i32
      %get3A_508 = arith.index_cast %get3A_507 : i32 to index
      %get3A_509 = arith.index_cast %scan3A_453 : i32 to index
      %get3A_510 = arith.constant 32 : index
      %get3A_511 = tpu.vector_load %arg6[%get3A_508, %get3A_509, %get3A_510] {strides = array<i32>} : memref<8x64x128xf32, #tpu.memory_space<vmem>>, vector<1x1x16xf32>,
      %get3A_512 = vector.shape_cast %get3A_511 : vector<1x1x16xf32> to vector<16xf32>
      %bitcast_convert_type3A_513 = tpu.bitcast %get3A_512 : vector<16xf32> -> vector<16xi32>
      %add3A_514 = arith.addi %bitcast_convert_type3A_506, %broadcast_in_dim3A_287 : vector<16xi32>
      %shift_right_logical3A_515 = arith.constant 16 : i32
      %shift_right_logical3A_516 = vector.broadcast %shift_right_logical3A_515 : i32 to vector<16xi32>
      %shift_right_logical3A_517 = arith.shrui %add3A_514, %shift_right_logical3A_516 : vector<16xi32>
      %add3A_518 = arith.addi %bitcast_convert_type3A_513, %broadcast_in_dim3A_287 : vector<16xi32>
      %and3A_519 = arith.andi %add3A_518, %broadcast_in_dim3A_289 : vector<16xi32>
      %or3A_520 = arith.ori %shift_right_logical3A_517, %and3A_519 : vector<16xi32>
      %swap3A_521 = arith.index_cast %scan3A_453 : i32 to index
      %swap3A_522 = arith.constant 32 : index
      %swap3A_523 = tpu.vector_load %arg7[%swap3A_521, %swap3A_522] {strides = array<i32>} : memref<64x128xi32, #tpu.memory_space<vmem>>, vector<1x16xi32>,
      %swap3A_524 = vector.shape_cast %swap3A_523 : vector<1x16xi32> to vector<16xi32>
      %swap3A_525 = vector.shape_cast %or3A_520 : vector<16xi32> to vector<1x16xi32>
      tpu.vector_store %arg7[%swap3A_521, %swap3A_522], %swap3A_525 {strides = array<i32>} : memref<64x128xi32, #tpu.memory_space<vmem>>, vector<1x16xi32>,
      %get3A_526 = arith.constant 6 : i32
      %get3A_527 = arith.index_cast %get3A_526 : i32 to index
      %get3A_528 = arith.index_cast %scan3A_453 : i32 to index
      %get3A_529 = arith.constant 48 : index
      %get3A_530 = tpu.vector_load %arg6[%get3A_527, %get3A_528, %get3A_529] {strides = array<i32>} : memref<8x64x128xf32, #tpu.memory_space<vmem>>, vector<1x1x16xf32>,
      %get3A_531 = vector.shape_cast %get3A_530 : vector<1x1x16xf32> to vector<16xf32>
      %bitcast_convert_type3A_532 = tpu.bitcast %get3A_531 : vector<16xf32> -> vector<16xi32>
      %get3A_533 = arith.constant 7 : i32
      %get3A_534 = arith.index_cast %get3A_533 : i32 to index
      %get3A_535 = arith.index_cast %scan3A_453 : i32 to index
      %get3A_536 = arith.constant 48 : index
      %get3A_537 = tpu.vector_load %arg6[%get3A_534, %get3A_535, %get3A_536] {strides = array<i32>} : memref<8x64x128xf32, #tpu.memory_space<vmem>>, vector<1x1x16xf32>,
      %get3A_538 = vector.shape_cast %get3A_537 : vector<1x1x16xf32> to vector<16xf32>
      %bitcast_convert_type3A_539 = tpu.bitcast %get3A_538 : vector<16xf32> -> vector<16xi32>
      %add3A_540 = arith.addi %bitcast_convert_type3A_532, %broadcast_in_dim3A_287 : vector<16xi32>
      %shift_right_logical3A_541 = arith.constant 16 : i32
      %shift_right_logical3A_542 = vector.broadcast %shift_right_logical3A_541 : i32 to vector<16xi32>
      %shift_right_logical3A_543 = arith.shrui %add3A_540, %shift_right_logical3A_542 : vector<16xi32>
      %add3A_544 = arith.addi %bitcast_convert_type3A_539, %broadcast_in_dim3A_287 : vector<16xi32>
      %and3A_545 = arith.andi %add3A_544, %broadcast_in_dim3A_289 : vector<16xi32>
      %or3A_546 = arith.ori %shift_right_logical3A_543, %and3A_545 : vector<16xi32>
      %swap3A_547 = arith.index_cast %scan3A_453 : i32 to index
      %swap3A_548 = arith.constant 48 : index
      %swap3A_549 = tpu.vector_load %arg7[%swap3A_547, %swap3A_548] {strides = array<i32>} : memref<64x128xi32, #tpu.memory_space<vmem>>, vector<1x16xi32>,
      %swap3A_550 = vector.shape_cast %swap3A_549 : vector<1x16xi32> to vector<16xi32>
      %swap3A_551 = vector.shape_cast %or3A_546 : vector<16xi32> to vector<1x16xi32>
      tpu.vector_store %arg7[%swap3A_547, %swap3A_548], %swap3A_551 {strides = array<i32>} : memref<64x128xi32, #tpu.memory_space<vmem>>, vector<1x16xi32>,
      %get3A_552 = arith.constant 6 : i32
      %get3A_553 = arith.index_cast %get3A_552 : i32 to index
      %get3A_554 = arith.index_cast %scan3A_453 : i32 to index
      %get3A_555 = arith.constant 64 : index
      %get3A_556 = tpu.vector_load %arg6[%get3A_553, %get3A_554, %get3A_555] {strides = array<i32>} : memref<8x64x128xf32, #tpu.memory_space<vmem>>, vector<1x1x16xf32>,
      %get3A_557 = vector.shape_cast %get3A_556 : vector<1x1x16xf32> to vector<16xf32>
      %bitcast_convert_type3A_558 = tpu.bitcast %get3A_557 : vector<16xf32> -> vector<16xi32>
      %get3A_559 = arith.constant 7 : i32
      %get3A_560 = arith.index_cast %get3A_559 : i32 to index
      %get3A_561 = arith.index_cast %scan3A_453 : i32 to index
      %get3A_562 = arith.constant 64 : index
      %get3A_563 = tpu.vector_load %arg6[%get3A_560, %get3A_561, %get3A_562] {strides = array<i32>} : memref<8x64x128xf32, #tpu.memory_space<vmem>>, vector<1x1x16xf32>,
      %get3A_564 = vector.shape_cast %get3A_563 : vector<1x1x16xf32> to vector<16xf32>
      %bitcast_convert_type3A_565 = tpu.bitcast %get3A_564 : vector<16xf32> -> vector<16xi32>
      %add3A_566 = arith.addi %bitcast_convert_type3A_558, %broadcast_in_dim3A_287 : vector<16xi32>
      %shift_right_logical3A_567 = arith.constant 16 : i32
      %shift_right_logical3A_568 = vector.broadcast %shift_right_logical3A_567 : i32 to vector<16xi32>
      %shift_right_logical3A_569 = arith.shrui %add3A_566, %shift_right_logical3A_568 : vector<16xi32>
      %add3A_570 = arith.addi %bitcast_convert_type3A_565, %broadcast_in_dim3A_287 : vector<16xi32>
      %and3A_571 = arith.andi %add3A_570, %broadcast_in_dim3A_289 : vector<16xi32>
      %or3A_572 = arith.ori %shift_right_logical3A_569, %and3A_571 : vector<16xi32>
      %swap3A_573 = arith.index_cast %scan3A_453 : i32 to index
      %swap3A_574 = arith.constant 64 : index
      %swap3A_575 = tpu.vector_load %arg7[%swap3A_573, %swap3A_574] {strides = array<i32>} : memref<64x128xi32, #tpu.memory_space<vmem>>, vector<1x16xi32>,
      %swap3A_576 = vector.shape_cast %swap3A_575 : vector<1x16xi32> to vector<16xi32>
      %swap3A_577 = vector.shape_cast %or3A_572 : vector<16xi32> to vector<1x16xi32>
      tpu.vector_store %arg7[%swap3A_573, %swap3A_574], %swap3A_577 {strides = array<i32>} : memref<64x128xi32, #tpu.memory_space<vmem>>, vector<1x16xi32>,
      %get3A_578 = arith.constant 6 : i32
      %get3A_579 = arith.index_cast %get3A_578 : i32 to index
      %get3A_580 = arith.index_cast %scan3A_453 : i32 to index
      %get3A_581 = arith.constant 80 : index
      %get3A_582 = tpu.vector_load %arg6[%get3A_579, %get3A_580, %get3A_581] {strides = array<i32>} : memref<8x64x128xf32, #tpu.memory_space<vmem>>, vector<1x1x16xf32>,
      %get3A_583 = vector.shape_cast %get3A_582 : vector<1x1x16xf32> to vector<16xf32>
      %bitcast_convert_type3A_584 = tpu.bitcast %get3A_583 : vector<16xf32> -> vector<16xi32>
      %get3A_585 = arith.constant 7 : i32
      %get3A_586 = arith.index_cast %get3A_585 : i32 to index
      %get3A_587 = arith.index_cast %scan3A_453 : i32 to index
      %get3A_588 = arith.constant 80 : index
      %get3A_589 = tpu.vector_load %arg6[%get3A_586, %get3A_587, %get3A_588] {strides = array<i32>} : memref<8x64x128xf32, #tpu.memory_space<vmem>>, vector<1x1x16xf32>,
      %get3A_590 = vector.shape_cast %get3A_589 : vector<1x1x16xf32> to vector<16xf32>
      %bitcast_convert_type3A_591 = tpu.bitcast %get3A_590 : vector<16xf32> -> vector<16xi32>
      %add3A_592 = arith.addi %bitcast_convert_type3A_584, %broadcast_in_dim3A_287 : vector<16xi32>
      %shift_right_logical3A_593 = arith.constant 16 : i32
      %shift_right_logical3A_594 = vector.broadcast %shift_right_logical3A_593 : i32 to vector<16xi32>
      %shift_right_logical3A_595 = arith.shrui %add3A_592, %shift_right_logical3A_594 : vector<16xi32>
      %add3A_596 = arith.addi %bitcast_convert_type3A_591, %broadcast_in_dim3A_287 : vector<16xi32>
      %and3A_597 = arith.andi %add3A_596, %broadcast_in_dim3A_289 : vector<16xi32>
      %or3A_598 = arith.ori %shift_right_logical3A_595, %and3A_597 : vector<16xi32>
      %swap3A_599 = arith.index_cast %scan3A_453 : i32 to index
      %swap3A_600 = arith.constant 80 : index
      %swap3A_601 = tpu.vector_load %arg7[%swap3A_599, %swap3A_600] {strides = array<i32>} : memref<64x128xi32, #tpu.memory_space<vmem>>, vector<1x16xi32>,
      %swap3A_602 = vector.shape_cast %swap3A_601 : vector<1x16xi32> to vector<16xi32>
      %swap3A_603 = vector.shape_cast %or3A_598 : vector<16xi32> to vector<1x16xi32>
      tpu.vector_store %arg7[%swap3A_599, %swap3A_600], %swap3A_603 {strides = array<i32>} : memref<64x128xi32, #tpu.memory_space<vmem>>, vector<1x16xi32>,
      %get3A_604 = arith.constant 6 : i32
      %get3A_605 = arith.index_cast %get3A_604 : i32 to index
      %get3A_606 = arith.index_cast %scan3A_453 : i32 to index
      %get3A_607 = arith.constant 96 : index
      %get3A_608 = tpu.vector_load %arg6[%get3A_605, %get3A_606, %get3A_607] {strides = array<i32>} : memref<8x64x128xf32, #tpu.memory_space<vmem>>, vector<1x1x16xf32>,
      %get3A_609 = vector.shape_cast %get3A_608 : vector<1x1x16xf32> to vector<16xf32>
      %bitcast_convert_type3A_610 = tpu.bitcast %get3A_609 : vector<16xf32> -> vector<16xi32>
      %get3A_611 = arith.constant 7 : i32
      %get3A_612 = arith.index_cast %get3A_611 : i32 to index
      %get3A_613 = arith.index_cast %scan3A_453 : i32 to index
      %get3A_614 = arith.constant 96 : index
      %get3A_615 = tpu.vector_load %arg6[%get3A_612, %get3A_613, %get3A_614] {strides = array<i32>} : memref<8x64x128xf32, #tpu.memory_space<vmem>>, vector<1x1x16xf32>,
      %get3A_616 = vector.shape_cast %get3A_615 : vector<1x1x16xf32> to vector<16xf32>
      %bitcast_convert_type3A_617 = tpu.bitcast %get3A_616 : vector<16xf32> -> vector<16xi32>
      %add3A_618 = arith.addi %bitcast_convert_type3A_610, %broadcast_in_dim3A_287 : vector<16xi32>
      %shift_right_logical3A_619 = arith.constant 16 : i32
      %shift_right_logical3A_620 = vector.broadcast %shift_right_logical3A_619 : i32 to vector<16xi32>
      %shift_right_logical3A_621 = arith.shrui %add3A_618, %shift_right_logical3A_620 : vector<16xi32>
      %add3A_622 = arith.addi %bitcast_convert_type3A_617, %broadcast_in_dim3A_287 : vector<16xi32>
      %and3A_623 = arith.andi %add3A_622, %broadcast_in_dim3A_289 : vector<16xi32>
      %or3A_624 = arith.ori %shift_right_logical3A_621, %and3A_623 : vector<16xi32>
      %swap3A_625 = arith.index_cast %scan3A_453 : i32 to index
      %swap3A_626 = arith.constant 96 : index
      %swap3A_627 = tpu.vector_load %arg7[%swap3A_625, %swap3A_626] {strides = array<i32>} : memref<64x128xi32, #tpu.memory_space<vmem>>, vector<1x16xi32>,
      %swap3A_628 = vector.shape_cast %swap3A_627 : vector<1x16xi32> to vector<16xi32>
      %swap3A_629 = vector.shape_cast %or3A_624 : vector<16xi32> to vector<1x16xi32>
      tpu.vector_store %arg7[%swap3A_625, %swap3A_626], %swap3A_629 {strides = array<i32>} : memref<64x128xi32, #tpu.memory_space<vmem>>, vector<1x16xi32>,
      %get3A_630 = arith.constant 6 : i32
      %get3A_631 = arith.index_cast %get3A_630 : i32 to index
      %get3A_632 = arith.index_cast %scan3A_453 : i32 to index
      %get3A_633 = arith.constant 112 : index
      %get3A_634 = tpu.vector_load %arg6[%get3A_631, %get3A_632, %get3A_633] {strides = array<i32>} : memref<8x64x128xf32, #tpu.memory_space<vmem>>, vector<1x1x16xf32>,
      %get3A_635 = vector.shape_cast %get3A_634 : vector<1x1x16xf32> to vector<16xf32>
      %bitcast_convert_type3A_636 = tpu.bitcast %get3A_635 : vector<16xf32> -> vector<16xi32>
      %get3A_637 = arith.constant 7 : i32
      %get3A_638 = arith.index_cast %get3A_637 : i32 to index
      %get3A_639 = arith.index_cast %scan3A_453 : i32 to index
      %get3A_640 = arith.constant 112 : index
      %get3A_641 = tpu.vector_load %arg6[%get3A_638, %get3A_639, %get3A_640] {strides = array<i32>} : memref<8x64x128xf32, #tpu.memory_space<vmem>>, vector<1x1x16xf32>,
      %get3A_642 = vector.shape_cast %get3A_641 : vector<1x1x16xf32> to vector<16xf32>
      %bitcast_convert_type3A_643 = tpu.bitcast %get3A_642 : vector<16xf32> -> vector<16xi32>
      %add3A_644 = arith.addi %bitcast_convert_type3A_636, %broadcast_in_dim3A_287 : vector<16xi32>
      %shift_right_logical3A_645 = arith.constant 16 : i32
      %shift_right_logical3A_646 = vector.broadcast %shift_right_logical3A_645 : i32 to vector<16xi32>
      %shift_right_logical3A_647 = arith.shrui %add3A_644, %shift_right_logical3A_646 : vector<16xi32>
      %add3A_648 = arith.addi %bitcast_convert_type3A_643, %broadcast_in_dim3A_287 : vector<16xi32>
      %and3A_649 = arith.andi %add3A_648, %broadcast_in_dim3A_289 : vector<16xi32>
      %or3A_650 = arith.ori %shift_right_logical3A_647, %and3A_649 : vector<16xi32>
      %swap3A_651 = arith.index_cast %scan3A_453 : i32 to index
      %swap3A_652 = arith.constant 112 : index
      %swap3A_653 = tpu.vector_load %arg7[%swap3A_651, %swap3A_652] {strides = array<i32>} : memref<64x128xi32, #tpu.memory_space<vmem>>, vector<1x16xi32>,
      %swap3A_654 = vector.shape_cast %swap3A_653 : vector<1x16xi32> to vector<16xi32>
      %swap3A_655 = vector.shape_cast %or3A_650 : vector<16xi32> to vector<1x16xi32>
      tpu.vector_store %arg7[%swap3A_651, %swap3A_652], %swap3A_655 {strides = array<i32>} : memref<64x128xi32, #tpu.memory_space<vmem>>, vector<1x16xi32>,
    }
    %scan3A_440 = arith.constant 64 : i32
    %mul3A_441 = arith.constant 256 : i32
    %mul3A_442 = arith.muli %add3A, %mul3A_441 : i32
    %add3A_443 = arith.constant 192 : i32
    %add3A_444 = arith.addi %mul3A_442, %add3A_443 : i32
    %dma_start3A_445 = arith.constant 0 : i32
    %dma_start3A_446 = tpu.memref_slice %arg4[%add3A_444, %dma_start3A_445] : memref<8192x128xi32, #tpu.memory_space<hbm>> -> memref<64x128xi32, #tpu.memory_space<hbm>>
    %dma_start3A_447 = arith.constant 0 : i32
    %dma_start3A_448 = tpu.memref_slice %arg4[%add3A_444, %dma_start3A_447] : memref<8192x128xi32, #tpu.memory_space<hbm>> -> memref<64x128xi32, #tpu.memory_space<hbm>>
    tpu.enqueue_dma source(%arg7 : memref<64x128xi32, #tpu.memory_space<vmem>>) target(%dma_start3A_448 : memref<64x128xi32, #tpu.memory_space<hbm>>) target_semaphore(%arg9 : memref<!tpu.dma_semaphore, #tpu.memory_space<semaphore_mem>>)
    %dma_wait3A_449 = arith.constant 0 : i32
    %dma_wait3A_450 = tpu.memref_slice %arg4[%add3A_444, %dma_wait3A_449] : memref<8192x128xi32, #tpu.memory_space<hbm>> -> memref<64x128xi32, #tpu.memory_space<hbm>>
    %dma_wait3A_451 = arith.constant 0 : i32
    %dma_wait3A_452 = tpu.memref_slice %arg4[%add3A_444, %dma_wait3A_451] : memref<8192x128xi32, #tpu.memory_space<hbm>> -> memref<64x128xi32, #tpu.memory_space<hbm>>
    tpu.wait_dma2 semaphore(%arg9 : memref<!tpu.dma_semaphore, #tpu.memory_space<semaphore_mem>>) src(%arg7 : memref<64x128xi32, #tpu.memory_space<vmem>>) dst(%dma_wait3A_452 : memref<64x128xi32, #tpu.memory_space<hbm>>)
    return
  }
}

module attributes {stable_mosaic.version = 14 : i64} {
  func.func @_mlp_body(%arg0: i32, %arg1: memref<2048x128xi32, #tpu.memory_space<vmem>>, %arg2: memref<128x128xf32, #tpu.memory_space<vmem>>, %arg3: memref<1x128xf32, #tpu.memory_space<vmem>>, %arg4: memref<1x128xf32, #tpu.memory_space<vmem>>, %arg5: memref<128x128xf32, #tpu.memory_space<vmem>>, %arg6: memref<1x128xf32, #tpu.memory_space<vmem>>, %arg7: memref<2x2048x128xf32, #tpu.memory_space<vmem>>) attributes {dimension_semantics = [#tpu.dimension_semantics<arbitrary>], iteration_bounds = array<i64: 4>, scalar_prefetch = 0 : i64, scratch_operands = 0 : i64, tpu.core_type = #tpu.core_type<tc>, window_params = [{transform_indices = @transform_0, window_bounds = array<i64: 2048, 128>}, {pipeline_mode = #tpu.pipeline_mode<synchronous>, transform_indices = @transform_1, window_bounds = array<i64: 128, 128>}, {pipeline_mode = #tpu.pipeline_mode<synchronous>, transform_indices = @transform_2, window_bounds = array<i64: 1, 128>}, {pipeline_mode = #tpu.pipeline_mode<synchronous>, transform_indices = @transform_3, window_bounds = array<i64: 1, 128>}, {pipeline_mode = #tpu.pipeline_mode<synchronous>, transform_indices = @transform_4, window_bounds = array<i64: 128, 128>}, {pipeline_mode = #tpu.pipeline_mode<synchronous>, transform_indices = @transform_5, window_bounds = array<i64: 1, 128>}, {transform_indices = @transform_6, window_bounds = array<i64: 2, 2048, 128>}]} {
    %get3A = arith.constant 0 : index
    %get3A_0 = arith.constant 0 : index
    %get3A_1 = vector.load %arg1[%get3A, %get3A_0] : memref<2048x128xi32, #tpu.memory_space<vmem>>, vector<2048x128xi32>
    %shift_left3A = arith.constant 16 : i32
    %shift_left3A_2 = vector.broadcast %shift_left3A : i32 to vector<2048x128xi32>
    %shift_left3A_3 = arith.shli %get3A_1, %shift_left3A_2 : vector<2048x128xi32>
    %bitcast_convert_type3A = tpu.bitcast %shift_left3A_3 : vector<2048x128xi32> -> vector<2048x128xf32>
    %and3A = arith.constant -65536 : i32
    %and3A_4 = vector.broadcast %and3A : i32 to vector<2048x128xi32>
    %and3A_5 = arith.andi %get3A_1, %and3A_4 : vector<2048x128xi32>
    %bitcast_convert_type3A_6 = tpu.bitcast %and3A_5 : vector<2048x128xi32> -> vector<2048x128xf32>
    %reduce_sum3A = arith.constant dense<0.000000e+00> : vector<2048xf32>
    %reduce_sum3A_7 = vector.multi_reduction <add>, %bitcast_convert_type3A, %reduce_sum3A [1] : vector<2048x128xf32> to vector<2048xf32>
    %broadcast_in_dim3A = vector.shape_cast %reduce_sum3A_7 : vector<2048xf32> to vector<2048x1xf32>
    %div3A = arith.constant 1.280000e+02 : f32
    %div3A_8 = vector.broadcast %div3A : f32 to vector<2048x1xf32>
    %div3A_9 = arith.divf %broadcast_in_dim3A, %div3A_8 : vector<2048x1xf32>
    %mul3A = arith.mulf %bitcast_convert_type3A, %bitcast_convert_type3A : vector<2048x128xf32>
    %reduce_sum3A_10 = arith.constant dense<0.000000e+00> : vector<2048xf32>
    %reduce_sum3A_11 = vector.multi_reduction <add>, %mul3A, %reduce_sum3A_10 [1] : vector<2048x128xf32> to vector<2048xf32>
    %broadcast_in_dim3A_12 = vector.shape_cast %reduce_sum3A_11 : vector<2048xf32> to vector<2048x1xf32>
    %div3A_13 = arith.constant 1.280000e+02 : f32
    %div3A_14 = vector.broadcast %div3A_13 : f32 to vector<2048x1xf32>
    %div3A_15 = arith.divf %broadcast_in_dim3A_12, %div3A_14 : vector<2048x1xf32>
    %mul3A_16 = arith.mulf %div3A_9, %div3A_9 : vector<2048x1xf32>
    %sub3A = arith.subf %div3A_15, %mul3A_16 : vector<2048x1xf32>
    %add3A = arith.constant 9.99999974E-6 : f32
    %add3A_17 = vector.broadcast %add3A : f32 to vector<2048x1xf32>
    %add3A_18 = arith.addf %sub3A, %add3A_17 : vector<2048x1xf32>
    %rsqrt3A = math.rsqrt %add3A_18 : vector<2048x1xf32>
    %get3A_19 = arith.constant 0 : index
    %get3A_20 = arith.constant 0 : index
    %get3A_21 = vector.load %arg2[%get3A_19, %get3A_20] : memref<128x128xf32, #tpu.memory_space<vmem>>, vector<128x128xf32>
    %dot_general3A = arith.constant dense<0.000000e+00> : vector<2048x128xf32>
    %dot_general3A_22 = tpu.matmul %bitcast_convert_type3A, %get3A_21, %dot_general3A {dimension_numbers = #tpu.dot_dimension_numbers<[1], [0], [0], [1], [0, 0, 1, 1], [], []>, transpose_lhs_hint = false} : vector<2048x128xf32>, vector<128x128xf32>, vector<2048x128xf32> -> vector<2048x128xf32>
    %get3A_23 = arith.constant 0 : index
    %get3A_24 = arith.constant 0 : index
    %get3A_25 = vector.load %arg3[%get3A_23, %get3A_24] : memref<1x128xf32, #tpu.memory_space<vmem>>, vector<1x128xf32>
    %mul3A_26 = vector.broadcast %div3A_9 : vector<2048x1xf32> to vector<2048x128xf32>
    %mul3A_27 = vector.broadcast %get3A_25 : vector<1x128xf32> to vector<2048x128xf32>
    %mul3A_28 = arith.mulf %mul3A_26, %mul3A_27 : vector<2048x128xf32>
    %sub3A_29 = arith.subf %dot_general3A_22, %mul3A_28 : vector<2048x128xf32>
    %mul3A_30 = vector.broadcast %rsqrt3A : vector<2048x1xf32> to vector<2048x128xf32>
    %mul3A_31 = arith.mulf %mul3A_30, %sub3A_29 : vector<2048x128xf32>
    %get3A_32 = arith.constant 0 : index
    %get3A_33 = arith.constant 0 : index
    %get3A_34 = vector.load %arg4[%get3A_32, %get3A_33] : memref<1x128xf32, #tpu.memory_space<vmem>>, vector<1x128xf32>
    %add3A_35 = vector.broadcast %get3A_34 : vector<1x128xf32> to vector<2048x128xf32>
    %add3A_36 = arith.addf %mul3A_31, %add3A_35 : vector<2048x128xf32>
    %logistic3A = arith.negf %add3A_36 : vector<2048x128xf32>
    %logistic3A_37 = math.exp %logistic3A : vector<2048x128xf32>
    %logistic3A_38 = arith.constant 1.000000e+00 : f32
    %logistic3A_39 = vector.broadcast %logistic3A_38 : f32 to vector<2048x128xf32>
    %logistic3A_40 = arith.addf %logistic3A_39, %logistic3A_37 : vector<2048x128xf32>
    %logistic3A_41 = arith.divf %logistic3A_39, %logistic3A_40 : vector<2048x128xf32>
    %mul3A_42 = arith.mulf %add3A_36, %logistic3A_41 : vector<2048x128xf32>
    %get3A_43 = arith.constant 0 : index
    %get3A_44 = arith.constant 0 : index
    %get3A_45 = vector.load %arg5[%get3A_43, %get3A_44] : memref<128x128xf32, #tpu.memory_space<vmem>>, vector<128x128xf32>
    %dot_general3A_46 = arith.constant dense<0.000000e+00> : vector<2048x128xf32>
    %dot_general3A_47 = tpu.matmul %mul3A_42, %get3A_45, %dot_general3A_46 {dimension_numbers = #tpu.dot_dimension_numbers<[1], [0], [0], [1], [0, 0, 1, 1], [], []>, transpose_lhs_hint = false} : vector<2048x128xf32>, vector<128x128xf32>, vector<2048x128xf32> -> vector<2048x128xf32>
    %get3A_48 = arith.constant 0 : index
    %get3A_49 = arith.constant 0 : index
    %get3A_50 = vector.load %arg6[%get3A_48, %get3A_49] : memref<1x128xf32, #tpu.memory_space<vmem>>, vector<1x128xf32>
    %add3A_51 = vector.broadcast %get3A_50 : vector<1x128xf32> to vector<2048x128xf32>
    %add3A_52 = arith.addf %dot_general3A_47, %add3A_51 : vector<2048x128xf32>
    %swap3A = arith.constant 0 : index
    %swap3A_53 = arith.constant 0 : index
    %swap3A_54 = arith.constant 0 : index
    %swap3A_55 = vector.load %arg7[%swap3A, %swap3A_53, %swap3A_54] : memref<2x2048x128xf32, #tpu.memory_space<vmem>>, vector<1x2048x128xf32>
    %swap3A_56 = vector.shape_cast %swap3A_55 : vector<1x2048x128xf32> to vector<2048x128xf32>
    %swap3A_57 = vector.shape_cast %add3A_52 : vector<2048x128xf32> to vector<1x2048x128xf32>
    tpu.vector_store %arg7[%swap3A, %swap3A_53, %swap3A_54], %swap3A_57 {strides = array<i32>} : memref<2x2048x128xf32, #tpu.memory_space<vmem>>, vector<1x2048x128xf32>,
    %reduce_sum3A_58 = arith.constant dense<0.000000e+00> : vector<2048xf32>
    %reduce_sum3A_59 = vector.multi_reduction <add>, %bitcast_convert_type3A_6, %reduce_sum3A_58 [1] : vector<2048x128xf32> to vector<2048xf32>
    %broadcast_in_dim3A_60 = vector.shape_cast %reduce_sum3A_59 : vector<2048xf32> to vector<2048x1xf32>
    %div3A_61 = arith.constant 1.280000e+02 : f32
    %div3A_62 = vector.broadcast %div3A_61 : f32 to vector<2048x1xf32>
    %div3A_63 = arith.divf %broadcast_in_dim3A_60, %div3A_62 : vector<2048x1xf32>
    %mul3A_64 = arith.mulf %bitcast_convert_type3A_6, %bitcast_convert_type3A_6 : vector<2048x128xf32>
    %reduce_sum3A_65 = arith.constant dense<0.000000e+00> : vector<2048xf32>
    %reduce_sum3A_66 = vector.multi_reduction <add>, %mul3A_64, %reduce_sum3A_65 [1] : vector<2048x128xf32> to vector<2048xf32>
    %broadcast_in_dim3A_67 = vector.shape_cast %reduce_sum3A_66 : vector<2048xf32> to vector<2048x1xf32>
    %div3A_68 = arith.constant 1.280000e+02 : f32
    %div3A_69 = vector.broadcast %div3A_68 : f32 to vector<2048x1xf32>
    %div3A_70 = arith.divf %broadcast_in_dim3A_67, %div3A_69 : vector<2048x1xf32>
    %mul3A_71 = arith.mulf %div3A_63, %div3A_63 : vector<2048x1xf32>
    %sub3A_72 = arith.subf %div3A_70, %mul3A_71 : vector<2048x1xf32>
    %add3A_73 = arith.constant 9.99999974E-6 : f32
    %add3A_74 = vector.broadcast %add3A_73 : f32 to vector<2048x1xf32>
    %add3A_75 = arith.addf %sub3A_72, %add3A_74 : vector<2048x1xf32>
    %rsqrt3A_76 = math.rsqrt %add3A_75 : vector<2048x1xf32>
    %get3A_77 = arith.constant 0 : index
    %get3A_78 = arith.constant 0 : index
    %get3A_79 = vector.load %arg2[%get3A_77, %get3A_78] : memref<128x128xf32, #tpu.memory_space<vmem>>, vector<128x128xf32>
    %dot_general3A_80 = arith.constant dense<0.000000e+00> : vector<2048x128xf32>
    %dot_general3A_81 = tpu.matmul %bitcast_convert_type3A_6, %get3A_79, %dot_general3A_80 {dimension_numbers = #tpu.dot_dimension_numbers<[1], [0], [0], [1], [0, 0, 1, 1], [], []>, transpose_lhs_hint = false} : vector<2048x128xf32>, vector<128x128xf32>, vector<2048x128xf32> -> vector<2048x128xf32>
    %get3A_82 = arith.constant 0 : index
    %get3A_83 = arith.constant 0 : index
    %get3A_84 = vector.load %arg3[%get3A_82, %get3A_83] : memref<1x128xf32, #tpu.memory_space<vmem>>, vector<1x128xf32>
    %mul3A_85 = vector.broadcast %div3A_63 : vector<2048x1xf32> to vector<2048x128xf32>
    %mul3A_86 = vector.broadcast %get3A_84 : vector<1x128xf32> to vector<2048x128xf32>
    %mul3A_87 = arith.mulf %mul3A_85, %mul3A_86 : vector<2048x128xf32>
    %sub3A_88 = arith.subf %dot_general3A_81, %mul3A_87 : vector<2048x128xf32>
    %mul3A_89 = vector.broadcast %rsqrt3A_76 : vector<2048x1xf32> to vector<2048x128xf32>
    %mul3A_90 = arith.mulf %mul3A_89, %sub3A_88 : vector<2048x128xf32>
    %get3A_91 = arith.constant 0 : index
    %get3A_92 = arith.constant 0 : index
    %get3A_93 = vector.load %arg4[%get3A_91, %get3A_92] : memref<1x128xf32, #tpu.memory_space<vmem>>, vector<1x128xf32>
    %add3A_94 = vector.broadcast %get3A_93 : vector<1x128xf32> to vector<2048x128xf32>
    %add3A_95 = arith.addf %mul3A_90, %add3A_94 : vector<2048x128xf32>
    %logistic3A_96 = arith.negf %add3A_95 : vector<2048x128xf32>
    %logistic3A_97 = math.exp %logistic3A_96 : vector<2048x128xf32>
    %logistic3A_98 = arith.constant 1.000000e+00 : f32
    %logistic3A_99 = vector.broadcast %logistic3A_98 : f32 to vector<2048x128xf32>
    %logistic3A_100 = arith.addf %logistic3A_99, %logistic3A_97 : vector<2048x128xf32>
    %logistic3A_101 = arith.divf %logistic3A_99, %logistic3A_100 : vector<2048x128xf32>
    %mul3A_102 = arith.mulf %add3A_95, %logistic3A_101 : vector<2048x128xf32>
    %get3A_103 = arith.constant 0 : index
    %get3A_104 = arith.constant 0 : index
    %get3A_105 = vector.load %arg5[%get3A_103, %get3A_104] : memref<128x128xf32, #tpu.memory_space<vmem>>, vector<128x128xf32>
    %dot_general3A_106 = arith.constant dense<0.000000e+00> : vector<2048x128xf32>
    %dot_general3A_107 = tpu.matmul %mul3A_102, %get3A_105, %dot_general3A_106 {dimension_numbers = #tpu.dot_dimension_numbers<[1], [0], [0], [1], [0, 0, 1, 1], [], []>, transpose_lhs_hint = false} : vector<2048x128xf32>, vector<128x128xf32>, vector<2048x128xf32> -> vector<2048x128xf32>
    %get3A_108 = arith.constant 0 : index
    %get3A_109 = arith.constant 0 : index
    %get3A_110 = vector.load %arg6[%get3A_108, %get3A_109] : memref<1x128xf32, #tpu.memory_space<vmem>>, vector<1x128xf32>
    %add3A_111 = vector.broadcast %get3A_110 : vector<1x128xf32> to vector<2048x128xf32>
    %add3A_112 = arith.addf %dot_general3A_107, %add3A_111 : vector<2048x128xf32>
    %swap3A_113 = arith.constant 1 : index
    %swap3A_114 = arith.constant 0 : index
    %swap3A_115 = arith.constant 0 : index
    %swap3A_116 = vector.load %arg7[%swap3A_113, %swap3A_114, %swap3A_115] : memref<2x2048x128xf32, #tpu.memory_space<vmem>>, vector<1x2048x128xf32>
    %swap3A_117 = vector.shape_cast %swap3A_116 : vector<1x2048x128xf32> to vector<2048x128xf32>
    %swap3A_118 = vector.shape_cast %add3A_112 : vector<2048x128xf32> to vector<1x2048x128xf32>
    tpu.vector_store %arg7[%swap3A_113, %swap3A_114, %swap3A_115], %swap3A_118 {strides = array<i32>} : memref<2x2048x128xf32, #tpu.memory_space<vmem>>, vector<1x2048x128xf32>,
    return
  }
  func.func @transform_0(%arg0: i32) -> (i32, i32) {
    %c0_i32 = arith.constant 0 : i32
    %c0_i32_0 = arith.constant 0 : i32
    return %arg0, %c0_i32 : i32, i32
  }
  func.func @transform_1(%arg0: i32) -> (i32, i32) {
    %c0_i32 = arith.constant 0 : i32
    %c0_i32_0 = arith.constant 0 : i32
    %c0_i32_1 = arith.constant 0 : i32
    return %c0_i32, %c0_i32_0 : i32, i32
  }
  func.func @transform_2(%arg0: i32) -> (i32, i32) {
    %c0_i32 = arith.constant 0 : i32
    %c0_i32_0 = arith.constant 0 : i32
    %c0_i32_1 = arith.constant 0 : i32
    return %c0_i32, %c0_i32_0 : i32, i32
  }
  func.func @transform_3(%arg0: i32) -> (i32, i32) {
    %c0_i32 = arith.constant 0 : i32
    %c0_i32_0 = arith.constant 0 : i32
    %c0_i32_1 = arith.constant 0 : i32
    return %c0_i32, %c0_i32_0 : i32, i32
  }
  func.func @transform_4(%arg0: i32) -> (i32, i32) {
    %c0_i32 = arith.constant 0 : i32
    %c0_i32_0 = arith.constant 0 : i32
    %c0_i32_1 = arith.constant 0 : i32
    return %c0_i32, %c0_i32_0 : i32, i32
  }
  func.func @transform_5(%arg0: i32) -> (i32, i32) {
    %c0_i32 = arith.constant 0 : i32
    %c0_i32_0 = arith.constant 0 : i32
    %c0_i32_1 = arith.constant 0 : i32
    return %c0_i32, %c0_i32_0 : i32, i32
  }
  func.func @transform_6(%arg0: i32) -> (i32, i32, i32) {
    %c0_i32 = arith.constant 0 : i32
    %c0_i32_0 = arith.constant 0 : i32
    %c0_i32_1 = arith.constant 0 : i32
    return %c0_i32, %arg0, %c0_i32_0 : i32, i32, i32
  }
}

</mosaic_0001>

<sc_bundles>
// kernel: kernel.4.cloned.1.call-start
scs
__scs_entry_jumppad:
0x0: {  	(pc) =	sbr.rel $0x88, $3  }
0x1: {  	(tag) =	ssettag $0x0;
	lr =	simm.s32 $0x1  }
0x2: {  	[smem:$0x3F99] =	sst lr;
	_ =	strace $0xD0000000  }
0x3: {  	_ = 	snop  }
0x4: {  	_ = 	snop  }
0x5: {  	_ = 	snop  }
0x6: {  	_ = 	snop  }
0x7: {  	_ = 	snop  }
__scs_overlays_trampoline_lowered:
0x8: {  	[smem:$0x3FA8] =	sst s0  }
0x9: {  	[smem:$0x3FA9] =	sst s1  }
0xa: {  	[smem:$0x3FAA] =	sst s2  }
0xb: {  	[smem:$0x3FAB] =	sst s3  }
0xc: {  	[smem:$0x3FAC] =	sst s4  }
0xd: {  	[smem:$0x3FAD] =	sst s5  }
0xe: {  	[smem:$0x3FAE] =	sst s6  }
0xf: {  	[smem:$0x3FAF] =	sst s7  }
0x10: {  	[smem:$0x3FB0] =	sst s8  }
0x11: {  	[smem:$0x3FB1] =	sst s9;
	s0 =	simm.s32 @!p0 $0x0  }
0x12: {  	s1 =	sld [smem:$0x3F97];
	s0 =	simm.s32 @p0 $0x1  }
0x13: {  	[smem:$0x3FB2] =	sst s0;
	s0 =	simm.s32 @!p1 $0x0  }
0x14: {  	s2 =	sld [smem:$0x3F96];
	s0 =	simm.s32 @p1 $0x1  }
0x15: {  	[smem:$0x3FB3] =	sst s0;
	s0 =	simm.s32 @!p2 $0x0  }
0x16: {  	s3 =	sld [smem:$0x3FDB];
	s0 =	simm.s32 @p2 $0x1  }
0x17: {  	s4 =	simm.s32 $0x1BF5;
	[smem:$0x3FB5] =	sst s0  }
0x18: {  	s0 =	sld [smem:$0x3F98];
	_ =	swait.ge [sflag:s4], $0x0  }
0x19: {  	s7 =	sld [smem:$0x3F99]  }
0x1a: {  	s8 =	sadd.s32 $0xFFFFE003, lr  }
0x1b: {  	s9 =	sadd.s32 $0xFFFFFEF7, lr;
	s5 =	simm.s32 $0xFFFFFFFF;
	p2 =	slt.u32 s8, $0xFFFFF086  }
0x1c: {  	p1 =	slt.u32 s9, $0xF7A;
	s5 =	simm.s32 @!p2 $0x0  }
0x1d: {  	s5 =	simm.s32 @p1 $0x1;
	p0 =	seq.s32 s7, s2  }
0x1e: {  	s7 =	smul.u32 @!p0 $0xF7A, s2;
	p2 =	seq.s32 @!p0 s5, $0x0  }
0x1f: {  	s9 =	smul.u32 $0xF7A, s1;
	s8 =	simm.s32 @!p0 $0x1BF5;
	p2 =	por !p2, p0  }
0x20: {  	[sflag:s8] =	ssyncset.s32 @!p0 $0xFFFFF086;
	s6 =	sadd.s32 @!p0 s3, s7;
	s7 =	simm.s32 @!p0 $0x108  }
0x21: {  	s3 =	sadd.s32 s3, s9;
	s6 =	sadd.s32 @!p0 $0x88, s6;
	s7 =	simm.s32 @p2 $0x1082  }
0x22: {  	[simem:s7], [sflag:s8] =	dma.local @!p0 [hbm:s6], $0xF7A  }
0x23: {  	s9 =	sor.u32 $0xD0000000, s2;
	s6 =	simm.s32 $0x108;
	_ =	swait.ge @!p0 [sflag:s8], $0x0  }
0x24: {  	s3 =	sadd.s32 $0x88, s3;
	s6 =	simm.s32 @!p1 $0x1082;
	[sflag:s4] =	ssyncset.s32 $0xFFFFF086  }
0x25: {  	[simem:s6], [sflag:s4] =	dma.local [hbm:s3], $0xF7A  }
0x26: {  	[smem:$0x3F99] =	sst s1;
	(tag) =	ssettag s2;
	_ =	strace s9  }
0x27: {  	s1 =	sld [smem:$0x3FA9]  }
0x28: {  	s2 =	sld [smem:$0x3FAA]  }
0x29: {  	s4 =	sld [smem:$0x3FAC]  }
0x2a: {  	p0 =	seq.s32 s5, $0x0;
	s5 =	sld [smem:$0x3FAD]  }
0x2b: {  	s6 =	sld [smem:$0x3FAE]  }
0x2c: {  	s7 =	sld [smem:$0x3FAF]  }
0x2d: {  	s3 =	simm.s32 $0x108;
	s8 =	sld [smem:$0x3FB0]  }
0x2e: {  	s3 =	simm.s32 @!p0 $0x1082;
	s9 =	sld [smem:$0x3FB1]  }
0x2f: {  	lr =	sadd.s32 s0, s3;
	s0 =	sld [smem:$0x3FA8]  }
0x30: {  	s3 =	sld [smem:$0x3FAB]  }
0x31: {  	[smem:$0x3FB4] =	sst s10  }
0x32: {  	s10 =	sld [smem:$0x3FB2];
	_ =	sdelay $0x3  }
0x33: {  	p0 =	seq.s32 s10, $0x1;
	s10 =	sld [smem:$0x3FB4];
	_ =	sdelay $0x3  }
0x34: {  	[smem:$0x3FB4] =	sst s10  }
0x35: {  	s10 =	sld [smem:$0x3FB3];
	_ =	sdelay $0x3  }
0x36: {  	p1 =	seq.s32 s10, $0x1;
	s10 =	sld [smem:$0x3FB4];
	_ =	sdelay $0x3  }
0x37: {  	[smem:$0x3FB4] =	sst s10  }
0x38: {  	s10 =	sld [smem:$0x3FB5]  }
0x39: {  	_ = 	snop;
	(pc) =	sbr.ind lr, $3  }
0x3a: {  	_ = 	snop  }
0x3b: {  	_ = 	snop  }
0x3c: {  	p2 =	seq.s32 s10, $0x1;
	s10 =	sld [smem:$0x3FB4]  }
0x3d: {  	_ =	shalt  }
0x3e: {  	_ =	shalt  }
0x3f: {  	_ =	shalt  }
0x40: {  	_ =	shalt  }
0x41: {  	_ =	shalt  }
0x42: {  	_ =	shalt  }
0x43: {  	_ =	shalt  }
0x44: {  	_ =	shalt  }
0x45: {  	_ =	shalt  }
0x46: {  	_ =	shalt  }
0x47: {  	_ =	shalt  }
0x48: {  	_ =	shalt  }
0x49: {  	_ =	shalt  }
0x4a: {  	_ =	shalt  }
0x4b: {  	_ =	shalt  }
0x4c: {  	_ =	shalt  }
0x4d: {  	_ =	shalt  }
0x4e: {  	_ =	shalt  }
0x4f: {  	_ =	shalt  }
0x50: {  	_ =	shalt  }
0x51: {  	_ =	shalt  }
0x52: {  	_ =	shalt  }
0x53: {  	_ =	shalt  }
0x54: {  	_ =	shalt  }
0x55: {  	_ =	shalt  }
0x56: {  	_ =	shalt  }
0x57: {  	_ =	shalt  }
0x58: {  	_ =	shalt  }
0x59: {  	_ =	shalt  }
0x5a: {  	_ =	shalt  }
0x5b: {  	_ =	shalt  }
0x5c: {  	_ =	shalt  }
0x5d: {  	_ =	shalt  }
0x5e: {  	_ =	shalt  }
0x5f: {  	_ =	shalt  }
0x60: {  	_ =	shalt  }
0x61: {  	_ =	shalt  }
0x62: {  	_ =	shalt  }
0x63: {  	_ =	shalt  }
0x64: {  	_ =	shalt  }
0x65: {  	_ =	shalt  }
0x66: {  	_ =	shalt  }
0x67: {  	_ =	shalt  }
0x68: {  	_ =	shalt  }
0x69: {  	_ =	shalt  }
0x6a: {  	_ =	shalt  }
0x6b: {  	_ =	shalt  }
0x6c: {  	_ =	shalt  }
0x6d: {  	_ =	shalt  }
0x6e: {  	_ =	shalt  }
0x6f: {  	_ =	shalt  }
0x70: {  	_ =	shalt  }
0x71: {  	_ =	shalt  }
0x72: {  	_ =	shalt  }
0x73: {  	_ =	shalt  }
0x74: {  	_ =	shalt  }
0x75: {  	_ =	shalt  }
0x76: {  	_ =	shalt  }
0x77: {  	_ =	shalt  }
0x78: {  	_ =	shalt  }
0x79: {  	_ =	shalt  }
0x7a: {  	_ =	shalt  }
0x7b: {  	_ =	shalt  }
0x7c: {  	_ =	shalt  }
0x7d: {  	_ =	shalt  }
0x7e: {  	_ =	shalt  }
0x7f: {  	_ =	shalt  }
0x80: {  	_ =	shalt  }
0x81: {  	_ =	shalt  }
0x82: {  	_ =	shalt  }
0x83: {  	_ =	shalt  }
0x84: {  	_ =	shalt  }
0x85: {  	_ =	shalt  }
0x86: {  	_ =	shalt  }
0x87: {  	_ =	shalt  }
.Lfunc_end0:
.L_simem_size_0:
called_computation_lowered:
.L_overlay_start_0:
0x88: {  	s2 =	sld [smem:$0x3FD9]  }
0x89: {  	s3 =	sld [smem:$0x3FFE];
	_ =	sdelay $0x1  }
0x8a: {  	s1 =	srdreg.scid  }
0x8b: {  	s0 =	sand.u32 $0x1, s1  }
0x8c: {  	s18 =	sshll.u32 s0, $0xA;
	s2 =	sadd.s32 s3, s2  }
0x8d: {  	s2 =	sadd.s32 s2, s18  }
0x8e: {  	[smem:$0x3FC0] =	sst s2  }
0x8f: {  	_ = 	snop  }
0x90: {  	s2 =	sld [smem:$0x3FC9]  }
0x91: {  	s19 =	sld [smem:$0x3FC8]  }
0x92: {  	s4 =	sld [smem:$0x3FD0];
	(tm) =	ssettm $0x1  }
0x93: {  	s5 =	sld [smem:$0x3FFB];
	_ =	sdelay $0x3  }
0x94: {  	_ =	strace s5  }
0x95: {  	s5 =	sld [smem:$0x3FFC];
	_ =	sdelay $0x3  }
0x96: {  	_ =	strace s5  }
0x97: {  	s5 =	sld [smem:$0x3FFD];
	_ =	sdelay $0x3  }
0x98: {  	_ =	strace s5  }
0x99: {  	_ =	strace $0x8FFFFFFF  }
0x9a: {  	s20 =	sld [smem:$0x3FDB];
	_ =	sdelay $0x1  }
0x9b: {  	s6 =	simm.s32 $_scs_section_size  }
0x9c: {  	s7 =	simm.s32 $_size__tile_overlayer_lowered;
	s8 =	simm.s32 $_tile_overlayer_lowered  }
0x9d: {  	s23 =	simm.s32 $0x1BFF;
	s22 =	sshll.u32 s8, $0x1;
	s5 =	sadd.s32 s6, s20  }
0x9e: {  	s9 =	simm.s32 $0x0;
	s21 =	sshll.u32 s7, $0x1;
	s7 =	sadd.s32 s22, s5  }
0x9f: {  	[timem:s9], [sflag:s23] =	dma.local [hbm:s7], s21  }
0xa0: {  	_ =	swait.ge [sflag:s23], s21  }
0xa1: {  	s6 =	ssub.s32 $0x0, s21;
	[sflag:s23] =	ssyncset.done $0x0  }
0xa2: {  	[sflag:s23] =	ssyncadd.s32 s6;
	_ =	sdelay $0x1  }
0xa3: {  	s24 =	simm.s32 $0x1B8B  }
0xa4: {  	_ =	swait.ge [sflag:s24], $0x1  }
0xa5: {  	[sflag:s24] =	ssyncset.done $0x0  }
0xa6: {  	s25 =	simm.s32 $0x1B8E;
	[sflag:s24] =	ssyncadd.s32 $0xFFFFFFFF  }
0xa7: {  	s26 =	simm.s32 $execute0_lowered;
	[smem:$0x3FD2] =	sst s25  }
0xa8: {  	s6 =	sshll.u32 s26, $0x1;
	_ =	strace $0x80000046;
	[dreg:$0x1] =	wrdreg $0xFFFFFFFF  }
0xa9: {  	s28 =	simm.s32 $_size_execute0_lowered;
	s5 =	sadd.s32 s5, s6;
	[dreg:$0x0] =	wrdreg $0x0  }
0xaa: {  	s6 =	sshll.u32 s28, $0x1;
	[dreg:$0x2] =	wrdreg s5  }
0xab: {  	[dreg:$0x3] =	wrdreg s6  }
0xac: {  	[dreg:$0x4] =	wrdreg $0xC0  }
0xad: {  	_ =	task [dreg:s9], $0x5FFFF  }
0xae: {  	[dreg:$0x1] =	wrdreg $0xFFFFFFFF  }
0xaf: {  	[dreg:$0x0] =	wrdreg $0x60  }
0xb0: {  	[dreg:$0x2] =	wrdreg s2  }
0xb1: {  	[dreg:$0x3] =	wrdreg s19  }
0xb2: {  	[dreg:$0x4] =	wrdreg s4  }
0xb3: {  	[dreg:$0x5] =	wrdreg $0x9  }
0xb4: {  	_ =	task.clear_ibuf [dreg:s9], $0x6FFFF;
	_ =	strace $0x90000046  }
0xb5: {  	s29 =	simm.s32 $0x9;
	_ =	strace $0x80000048  }
0xb6: {  	_ =	swait.ge [sflag:s29], $0x1  }
0xb7: {  	[sflag:s29] =	ssyncadd.s32 $0xFFFFFFFF  }
0xb8: {  	_ =	strace $0x90000048  }
0xb9: {  	_ =	sfence  }
0xba: {  	s30 =	sld [smem:$0x0];
	_ =	sdelay $0x2  }
0xbb: {  	s31 =	sshll.u32 s1, $0xD;
	s1 =	sshrl.u32 s1, $0x2  }
0xbc: {  	s3 =	sand.u32 $0x4000, s31;
	s1 =	sadd.s32 s1, s30  }
0xbd: {  	s0 =	sor.u32 s3, s0;
	s1 =	sshll.u32 s1, $0x11  }
0xbe: {  	s0 =	sor.u32 s1, s0  }
0xbf: {  	s0 =	sadd.s32 $0x8F2B, s0  }
0xc0: {  	[sflag:s0] =	ssyncadd.remote.s32 $0x1  }
0xc1: {  	_ =	sfence.sel $0xFFFF  }
0xc2: {  	[dreg:$0x0] =	wrdreg $0xFFFFFFFF;
	(pc) =	sbr.abs _section_cstart, $3  }
0xc3: {  	[dreg:$0x1] =	wrdreg $0xFFFFFFFF  }
0xc4: {  	_ =	task.clear_ibuf [dreg:s9], $0x2FFFF;
	_ =	strace $0x9FFFFFFF  }
0xc5: {  	(tm) =	ssettm $0x7FFFFFFF  }
tec
execute0_lowered:
.L_overlay_start_1:
0x0: {  	(tag) =	ssettag $0x1  }
0x1: {  	s0 =	rddreg [dreg:$0x0]  }
0x2: {  	s1 =	rddreg [dreg:$0x1]  }
0x3: {  	s2 =	rddreg [dreg:$0x2];
	s3 =	simm.s32 $0x0  }
0x4: {  	s4 =	srdreg.scid;
	s6 =	stileid.u32;
	s17 =	simm.s32 $0x80  }
0x5: {  	s18 =	simm.s32 $0x100;
	s19 =	simm.s32 $0x180;
	s20 =	simm.s32 $0x200  }
0x6: {  	s21 =	simm.s32 $0x280;
	s22 =	simm.s32 $0x300;
	s23 =	simm.s32 $0x380  }
0x7: {  	s24 =	simm.s32 $0x2;
	s25 =	simm.s32 $0x40;
	s28 =	simm.s32 $0x1  }
0x8: {  	s29 =	simm.s32 $0x10400;
	s30 =	simm.s32 $0x0;
	s4 =	sand.u32 $0x1, s4  }
0x9: {  	s6 =	sshll.u32 s6, $0x9;
	s5 =	ssub.s32 $0x2, s4;
	s4 =	sshll.u32 s4, $0x8  }
0xa: {  	[smem:$0x7FF] =	sst s3;
	s7 =	sshrl.u32 s5, $0x1;
	s10 =	sor.u32 s4, s6  }
0xb: {  	_ =	strace $0x80000047;
	s16 =	ssub.s32 s5, s7;
	s4 =	sshrl.u32 s10, $0x3  }
0xc: {  	s13 =	sor.u32 $0x40, s10;
	s14 =	sor.u32 $0x80, s10;
	s15 =	sor.u32 $0xC0, s10  }
0xd: {  	s12 =	sshll.u32 s10, $0x4;
	s4 =	sadd.s32 s0, s4;
	s26 =	sshrl.u32 s13, $0x3  }
0xe: {  	s8 =	sshrl.u32 s14, $0x3;
	s11 =	sshrl.u32 s15, $0x3;
	s12 =	sadd.s32 s2, s12  }
0xf: {  	s31 =	sshll.u32 s13, $0x4;
	s14 =	sshll.u32 s14, $0x4;
	s15 =	sshll.u32 s15, $0x4  }
0x10: {  	s16 =	smax.u32 s16, $0x1;
	s5 =	sadd.s32 $0x400, s4;
	s6 =	sadd.s32 s0, s26  }
0x11: {  	s7 =	sadd.s32 $0x408, s4;
	s8 =	sadd.s32 s0, s8;
	s9 =	sadd.s32 $0x410, s4  }
0x12: {  	s10 =	sadd.s32 s0, s11;
	s11 =	sadd.s32 $0x418, s4;
	s13 =	sadd.s32 s2, s31  }
0x13: {  	s14 =	sadd.s32 s2, s14;
	s15 =	sadd.s32 s2, s15;
	s26 =	simm.s32 $0xE400  }
.LBB2_1:
0x14: {  	[tilespmem:s3], [sflag:$0x2] =	stream.linear.gather [hbm4b:s4+s3], $0x40, $0x38;
	[tilespmem:$0x12400] =	vst v63  }
0x15: {  	_ = 	snop  }
0x16: {  	[tilespmem:s17], [sflag:$0x2] =	stream.linear.gather [hbm4b:s5+s3], $0x40, $0x38;
	[tilespmem:$0x12400] =	vst v63  }
0x17: {  	_ = 	snop  }
0x18: {  	[tilespmem:s18], [sflag:$0x2] =	stream.linear.gather [hbm4b:s6+s3], $0x40, $0x38;
	[tilespmem:$0x12400] =	vst v63  }
0x19: {  	_ = 	snop  }
0x1a: {  	[tilespmem:s19], [sflag:$0x2] =	stream.linear.gather [hbm4b:s7+s3], $0x40, $0x38;
	[tilespmem:$0x12400] =	vst v63  }
0x1b: {  	_ = 	snop  }
0x1c: {  	[tilespmem:s20], [sflag:$0x2] =	stream.linear.gather [hbm4b:s8+s3], $0x40, $0x38;
	[tilespmem:$0x12400] =	vst v63  }
0x1d: {  	_ = 	snop  }
0x1e: {  	[tilespmem:s21], [sflag:$0x2] =	stream.linear.gather [hbm4b:s9+s3], $0x40, $0x38;
	[tilespmem:$0x12400] =	vst v63  }
0x1f: {  	_ = 	snop  }
0x20: {  	[tilespmem:s22], [sflag:$0x2] =	stream.linear.gather [hbm4b:s10+s3], $0x40, $0x38;
	[tilespmem:$0x12400] =	vst v63  }
0x21: {  	_ = 	snop  }
0x22: {  	[tilespmem:s23], [sflag:$0x2] =	stream.linear.gather [hbm4b:s11+s3], $0x40, $0x38;
	[tilespmem:$0x12400] =	vst v63  }
0x23: {  	_ =	swait.ge [sflag:s24], $0x40  }
0x24: {  	[sflag:s24] =	ssyncset.done $0x0  }
0x25: {  	[sflag:s24] =	ssyncadd.s32 $0xFFFFFFC0  }
0x26: {  	_ =	swait.ge [sflag:s24], $0x40  }
0x27: {  	[sflag:s24] =	ssyncset.done $0x0  }
0x28: {  	[sflag:s24] =	ssyncadd.s32 $0xFFFFFFC0  }
0x29: {  	_ =	swait.ge [sflag:s24], $0x40  }
0x2a: {  	[sflag:s24] =	ssyncset.done $0x0  }
0x2b: {  	[sflag:s24] =	ssyncadd.s32 $0xFFFFFFC0  }
0x2c: {  	_ =	swait.ge [sflag:s24], $0x40  }
0x2d: {  	[sflag:s24] =	ssyncset.done $0x0  }
0x2e: {  	[sflag:s24] =	ssyncadd.s32 $0xFFFFFFC0  }
0x2f: {  	_ =	swait.ge [sflag:s24], $0x40  }
0x30: {  	[sflag:s24] =	ssyncset.done $0x0  }
0x31: {  	[sflag:s24] =	ssyncadd.s32 $0xFFFFFFC0  }
0x32: {  	_ =	swait.ge [sflag:s24], $0x40  }
0x33: {  	[sflag:s24] =	ssyncset.done $0x0  }
0x34: {  	[sflag:s24] =	ssyncadd.s32 $0xFFFFFFC0  }
0x35: {  	_ =	swait.ge [sflag:s24], $0x40  }
0x36: {  	[sflag:s24] =	ssyncset.done $0x0  }
0x37: {  	[sflag:s24] =	ssyncadd.s32 $0xFFFFFFC0  }
0x38: {  	_ =	swait.ge [sflag:s24], $0x40  }
0x39: {  	[sflag:s24] =	ssyncset.done $0x0  }
0x3a: {  	s0 =	simm.s32 $0x400;
	[sflag:s24] =	ssyncadd.s32 $0xFFFFFFC0  }
0x3b: {  	[tilespmem:s0], [sflag:$0x1] =	stream.indirect.gather [hbm4b:s1+s25], $0x80, s3, s25, $0xb8;
	[tilespmem:$0x12400] =	vst v63  }
0x3c: {  	s2 =	simm.s32 $0x2400  }
0x3d: {  	[tilespmem:s2], [sflag:$0x1] =	stream.indirect.gather [hbm4b:s1+s25], $0x80, s17, s25, $0xb8;
	[tilespmem:$0x12400] =	vst v63  }
0x3e: {  	s2 =	simm.s32 $0x4400  }
0x3f: {  	[tilespmem:s2], [sflag:$0x1] =	stream.indirect.gather [hbm4b:s1+s25], $0x80, s18, s25, $0xb8;
	[tilespmem:$0x12400] =	vst v63  }
0x40: {  	s2 =	simm.s32 $0x6400  }
0x41: {  	[tilespmem:s2], [sflag:$0x1] =	stream.indirect.gather [hbm4b:s1+s25], $0x80, s19, s25, $0xb8;
	[tilespmem:$0x12400] =	vst v63  }
0x42: {  	s2 =	simm.s32 $0x8400  }
0x43: {  	[tilespmem:s2], [sflag:$0x1] =	stream.indirect.gather [hbm4b:s1+s25], $0x80, s20, s25, $0xb8;
	[tilespmem:$0x12400] =	vst v63  }
0x44: {  	s2 =	simm.s32 $0xA400  }
0x45: {  	[tilespmem:s2], [sflag:$0x1] =	stream.indirect.gather [hbm4b:s1+s25], $0x80, s21, s25, $0xb8;
	[tilespmem:$0x12400] =	vst v63  }
0x46: {  	s2 =	simm.s32 $0xC400  }
0x47: {  	[tilespmem:s2], [sflag:$0x1] =	stream.indirect.gather [hbm4b:s1+s25], $0x80, s22, s25, $0xb8;
	[tilespmem:$0x12400] =	vst v63  }
0x48: {  	_ = 	snop  }
0x49: {  	[tilespmem:s26], [sflag:$0x1] =	stream.indirect.gather [hbm4b:s1+s25], $0x80, s23, s25, $0xb8;
	[tilespmem:$0x12400] =	vst v63  }
0x4a: {  	_ =	swait.ge [sflag:s28], $0x2000  }
0x4b: {  	[sflag:s28] =	ssyncset.done $0x0  }
0x4c: {  	[sflag:s28] =	ssyncadd.s32 $0xFFFFE000  }
0x4d: {  	_ =	swait.ge [sflag:s28], $0x2000  }
0x4e: {  	[sflag:s28] =	ssyncset.done $0x0  }
0x4f: {  	s31 =	simm.s32 $0x0;
	[sflag:s28] =	ssyncadd.s32 $0xFFFFE000  }
0x50: {  	v0 =	vld [tilespmem:s31+$0x470]  }
0x51: {  	v1 =	vld [tilespmem:s31+$0x2470]  }
0x52: {  	v2 =	vld [tilespmem:s31+$0x400]  }
0x53: {  	v3 =	vld [tilespmem:s31+$0x2400]  }
0x54: {  	v4 =	vld [tilespmem:s31+$0x410]  }
0x55: {  	v5 =	vld [tilespmem:s31+$0x2410]  }
0x56: {  	v6 =	vld [tilespmem:s31+$0x420]  }
0x57: {  	v7 =	vld [tilespmem:s31+$0x2420];
	v0 =	vadd.s32 $0x8000, v0;
	v1 =	vadd.s32 $0x8000, v1;
	v2 =	vadd.s32 $0x8000, v2  }
0x58: {  	v8 =	vld [tilespmem:s31+$0x430];
	v3 =	vadd.s32 $0x8000, v3;
	v0 =	vshrl.u32 v0, $0x10;
	v1 =	vand.u32 $0xFFFF0000, v1  }
0x59: {  	v9 =	vld [tilespmem:s31+$0x2430];
	v0 =	vor.u32 v0, v1;
	v1 =	vshrl.u32 v2, $0x10;
	v2 =	vand.u32 $0xFFFF0000, v3  }
0x5a: {  	v10 =	vld [tilespmem:s31+$0x440];
	[tilespmem:s31+$0x10470] =	vst v0;
	v0 =	vor.u32 v1, v2;
	v1 =	vadd.s32 $0x8000, v4;
	v2 =	vadd.s32 $0x8000, v5  }
0x5b: {  	v11 =	vld [tilespmem:s31+$0x2440];
	[tilespmem:s31+$0x10400] =	vst v0;
	v0 =	vshrl.u32 v1, $0x10;
	v1 =	vand.u32 $0xFFFF0000, v2  }
0x5c: {  	v3 =	vadd.s32 $0x8000, v7;
	v2 =	vadd.s32 $0x8000, v6;
	v0 =	vor.u32 v0, v1;
	v1 =	vld [tilespmem:s31+$0x450]  }
0x5d: {  	[tilespmem:s31+$0x10410] =	vst v0;
	v0 =	vshrl.u32 v2, $0x10;
	v2 =	vand.u32 $0xFFFF0000, v3;
	v3 =	vld [tilespmem:s31+$0x2450]  }
0x5e: {  	v4 =	vadd.s32 $0x8000, v8;
	v5 =	vadd.s32 $0x8000, v9;
	v0 =	vor.u32 v0, v2;
	v2 =	vld [tilespmem:s31+$0x460]  }
0x5f: {  	s0 =	simm.s32 $0x80;
	v7 =	vadd.s32 $0x8000, v10;
	v6 =	vshrl.u32 v4, $0x10;
	v5 =	vand.u32 $0xFFFF0000, v5;
	v4 =	vld [tilespmem:s31+$0x2460];
	[tilespmem:s31+$0x10420] =	vst v0  }
0x60: {  	s2 =	simm.s32 $0x400;
	v6 =	vor.u32 v6, v5;
	v5 =	vshrl.u32 v7, $0x10;
	v7 =	vadd.s32 $0x8000, v11;
	v0 =	vld [tilespmem:s0+$0x470]  }
.LBB2_2:
0x61: {  	p0 =	sne.s32 s2, $0x7E00;
	v8 =	vld [tilespmem:s0+$0x2470];
	[tilespmem:s31+$0x10430] =	vst v6;
	v6 =	vand.u32 $0xFFFF0000, v7;
	v1 =	vadd.s32 $0x8000, v1  }
0x62: {  	v7 =	vld [tilespmem:s0+$0x400];
	v5 =	vor.u32 v5, v6;
	v1 =	vshrl.u32 v1, $0x10;
	v3 =	vadd.s32 $0x8000, v3  }
0x63: {  	v6 =	vld [tilespmem:s0+$0x2400];
	[tilespmem:s31+$0x10440] =	vst v5;
	v3 =	vand.u32 $0xFFFF0000, v3;
	v2 =	vadd.s32 $0x8000, v2  }
0x64: {  	v5 =	vld [tilespmem:s0+$0x410];
	v1 =	vor.u32 v1, v3;
	v2 =	vshrl.u32 v2, $0x10;
	v3 =	vadd.s32 $0x8000, v4  }
0x65: {  	v4 =	vld [tilespmem:s0+$0x2410];
	[tilespmem:s31+$0x10450] =	vst v1;
	v1 =	vand.u32 $0xFFFF0000, v3  }
0x66: {  	v0 =	vadd.s32 $0x8000, v0;
	v3 =	vld [tilespmem:s0+$0x420];
	v8 =	vadd.s32 $0x8000, v8;
	v1 =	vor.u32 v2, v1  }
0x67: {  	v0 =	vshrl.u32 v0, $0x10;
	v2 =	vadd.s32 $0x8000, v7;
	v7 =	vld [tilespmem:s0+$0x2420];
	v8 =	vand.u32 $0xFFFF0000, v8;
	[tilespmem:s31+$0x10460] =	vst v1;
	s31 =	smov.u32 s0  }
0x68: {  	v1 =	vshrl.u32 v2, $0x10;
	v2 =	vadd.s32 $0x8000, v6;
	v6 =	vld [tilespmem:s31+$0x430];
	v0 =	vor.u32 v0, v8  }
0x69: {  	v2 =	vand.u32 $0xFFFF0000, v2;
	v5 =	vadd.s32 $0x8000, v5;
	v8 =	vld [tilespmem:s31+$0x2430];
	[tilespmem:s31+$0x10470] =	vst v0  }
0x6a: {  	v0 =	vor.u32 v1, v2;
	v1 =	vshrl.u32 v5, $0x10;
	v2 =	vadd.s32 $0x8000, v4;
	v4 =	vld [tilespmem:s31+$0x440]  }
0x6b: {  	[tilespmem:s31+$0x10400] =	vst v0;
	v0 =	vand.u32 $0xFFFF0000, v2;
	v2 =	vadd.s32 $0x8000, v3;
	v9 =	vld [tilespmem:s31+$0x2440]  }
.Ltmp0:
0x6c: {  	v0 =	vor.u32 v1, v0;
	v2 =	vshrl.u32 v2, $0x10;
	v3 =	vadd.s32 $0x8000, v7;
	v1 =	vld [tilespmem:s31+$0x450];
	(pc) =	sbr.rel @p0 .LBB2_2-.Ltmp0, $4  }
0x6d: {  	[tilespmem:s31+$0x10410] =	vst v0;
	v0 =	vand.u32 $0xFFFF0000, v3;
	v5 =	vadd.s32 $0x8000, v6;
	v3 =	vld [tilespmem:s31+$0x2450]  }
0x6e: {  	v0 =	vor.u32 v2, v0;
	v5 =	vshrl.u32 v5, $0x10;
	v6 =	vadd.s32 $0x8000, v8;
	v2 =	vld [tilespmem:s31+$0x460]  }
0x6f: {  	s0 =	sshra.s32 s2, $0x2;
	[tilespmem:s31+$0x10420] =	vst v0;
	v6 =	vand.u32 $0xFFFF0000, v6;
	v7 =	vadd.s32 $0x8000, v4;
	v4 =	vld [tilespmem:s31+$0x2460]  }
0x70: {  	s2 =	sadd.s32 $0x200, s2;
	v0 =	vld [tilespmem:s0+$0x470];
	v6 =	vor.u32 v5, v6;
	v5 =	vshrl.u32 v7, $0x10;
	v7 =	vadd.s32 $0x8000, v9  }
0x71: {  	v8 =	vld [tilespmem:s0+$0x2470];
	[tilespmem:s31+$0x10430] =	vst v6;
	v6 =	vand.u32 $0xFFFF0000, v7  }
0x72: {  	v1 =	vadd.s32 $0x8000, v1;
	v7 =	vld [tilespmem:s0+$0x400];
	v5 =	vor.u32 v5, v6;
	v3 =	vadd.s32 $0x8000, v3  }
0x73: {  	v6 =	vld [tilespmem:s0+$0x2400];
	v1 =	vshrl.u32 v1, $0x10;
	[tilespmem:s31+$0x10440] =	vst v5;
	v3 =	vand.u32 $0xFFFF0000, v3  }
0x74: {  	v2 =	vadd.s32 $0x8000, v2;
	v5 =	vld [tilespmem:s0+$0x410];
	v1 =	vor.u32 v1, v3;
	v4 =	vadd.s32 $0x8000, v4  }
0x75: {  	v3 =	vld [tilespmem:s0+$0x2410];
	[tilespmem:s31+$0x10450] =	vst v1;
	v1 =	vshrl.u32 v2, $0x10;
	v2 =	vand.u32 $0xFFFF0000, v4  }
0x76: {  	v0 =	vadd.s32 $0x8000, v0;
	v4 =	vld [tilespmem:s0+$0x420];
	v1 =	vor.u32 v1, v2  }
0x77: {  	v2 =	vld [tilespmem:s0+$0x2420];
	v8 =	vadd.s32 $0x8000, v8;
	v0 =	vshrl.u32 v0, $0x10;
	[tilespmem:s31+$0x10460] =	vst v1  }
0x78: {  	v1 =	vand.u32 $0xFFFF0000, v8;
	v7 =	vadd.s32 $0x8000, v7;
	v6 =	vadd.s32 $0x8000, v6;
	v8 =	vld [tilespmem:s0+$0x430]  }
0x79: {  	v0 =	vor.u32 v0, v1;
	v1 =	vld [tilespmem:s0+$0x2430];
	v7 =	vshrl.u32 v7, $0x10;
	v6 =	vand.u32 $0xFFFF0000, v6  }
0x7a: {  	[tilespmem:s0+$0x10470] =	vst v0;
	v0 =	vor.u32 v7, v6;
	v6 =	vld [tilespmem:s0+$0x440];
	v5 =	vadd.s32 $0x8000, v5;
	v3 =	vadd.s32 $0x8000, v3  }
0x7b: {  	v7 =	vld [tilespmem:s0+$0x2460];
	[tilespmem:s0+$0x10400] =	vst v0;
	v0 =	vshrl.u32 v5, $0x10;
	v3 =	vand.u32 $0xFFFF0000, v3  }
0x7c: {  	v5 =	vld [tilespmem:s0+$0x2440];
	v0 =	vor.u32 v0, v3;
	v4 =	vadd.s32 $0x8000, v4;
	v2 =	vadd.s32 $0x8000, v2  }
0x7d: {  	v3 =	vld [tilespmem:s0+$0x450];
	[tilespmem:s0+$0x10410] =	vst v0;
	v0 =	vshrl.u32 v4, $0x10;
	v2 =	vand.u32 $0xFFFF0000, v2  }
0x7e: {  	v4 =	vld [tilespmem:s0+$0x2450];
	v0 =	vor.u32 v0, v2  }
0x7f: {  	v2 =	vld [tilespmem:s0+$0x460];
	v1 =	vadd.s32 $0x8000, v1;
	[tilespmem:s0+$0x10420] =	vst v0;
	v0 =	vadd.s32 $0x8000, v8  }
0x80: {  	v1 =	vand.u32 $0xFFFF0000, v1;
	v0 =	vshrl.u32 v0, $0x10  }
0x81: {  	v6 =	vadd.s32 $0x8000, v6;
	v0 =	vor.u32 v0, v1;
	v1 =	vadd.s32 $0x8000, v5  }
0x82: {  	v5 =	vshrl.u32 v6, $0x10;
	v3 =	vadd.s32 $0x8000, v3;
	v1 =	vand.u32 $0xFFFF0000, v1  }
0x83: {  	v3 =	vshrl.u32 v3, $0x10;
	v4 =	vadd.s32 $0x8000, v4;
	v1 =	vor.u32 v5, v1  }
0x84: {  	[tilespmem:s0+$0x10430] =	vst v0;
	v0 =	vand.u32 $0xFFFF0000, v4;
	v2 =	vadd.s32 $0x8000, v2;
	v4 =	vadd.s32 $0x8000, v7  }
0x85: {  	[tilespmem:s0+$0x10440] =	vst v1;
	v0 =	vor.u32 v3, v0;
	v1 =	vshrl.u32 v2, $0x10;
	v2 =	vand.u32 $0xFFFF0000, v4  }
0x86: {  	[tilespmem:s0+$0x10450] =	vst v0;
	v0 =	vor.u32 v1, v2  }
0x87: {  	s2 =	simm.s32 $0x0;
	[tilespmem:s0+$0x10460] =	vst v0  }
0x88: {  	[hbm4b:s12+s2] =	stream.linear.scatter [tilespmem:s29], [sflag:$0x2], $0x2000, $0x38;
	[tilespmem:$0x12400] =	vst v63  }
0x89: {  	_ =	swait.ge [sflag:s28], $0x2000  }
0x8a: {  	[sflag:s28] =	ssyncset.done $0x0  }
0x8b: {  	[sflag:s28] =	ssyncadd.s32 $0xFFFFE000  }
0x8c: {  	_ =	swait.ge [sflag:s28], $0x2000  }
0x8d: {  	[sflag:s28] =	ssyncset.done $0x0  }
0x8e: {  	[sflag:s28] =	ssyncadd.s32 $0xFFFFE000  }
0x8f: {  	_ =	swait.ge [sflag:s24], $0x2000  }
0x90: {  	[sflag:s24] =	ssyncset.done $0x0  }
0x91: {  	s31 =	simm.s32 $0x0;
	[sflag:s24] =	ssyncadd.s32 $0xFFFFE000  }
0x92: {  	v0 =	vld [tilespmem:s31+$0x4470]  }
0x93: {  	v1 =	vld [tilespmem:s31+$0x6470]  }
0x94: {  	v2 =	vld [tilespmem:s31+$0x4400]  }
0x95: {  	v3 =	vld [tilespmem:s31+$0x6400]  }
0x96: {  	v4 =	vld [tilespmem:s31+$0x4410]  }
0x97: {  	v5 =	vld [tilespmem:s31+$0x6410]  }
0x98: {  	v6 =	vld [tilespmem:s31+$0x4420]  }
0x99: {  	v7 =	vld [tilespmem:s31+$0x6420];
	v0 =	vadd.s32 $0x8000, v0;
	v1 =	vadd.s32 $0x8000, v1;
	v2 =	vadd.s32 $0x8000, v2  }
0x9a: {  	v8 =	vld [tilespmem:s31+$0x4430];
	v3 =	vadd.s32 $0x8000, v3;
	v0 =	vshrl.u32 v0, $0x10;
	v1 =	vand.u32 $0xFFFF0000, v1  }
0x9b: {  	v9 =	vld [tilespmem:s31+$0x6430];
	v0 =	vor.u32 v0, v1;
	v1 =	vshrl.u32 v2, $0x10;
	v2 =	vand.u32 $0xFFFF0000, v3  }
0x9c: {  	v10 =	vld [tilespmem:s31+$0x4440];
	[tilespmem:s31+$0x10470] =	vst v0;
	v0 =	vor.u32 v1, v2;
	v1 =	vadd.s32 $0x8000, v4;
	v2 =	vadd.s32 $0x8000, v5  }
0x9d: {  	v11 =	vld [tilespmem:s31+$0x6440];
	[tilespmem:s31+$0x10400] =	vst v0;
	v0 =	vshrl.u32 v1, $0x10;
	v1 =	vand.u32 $0xFFFF0000, v2  }
0x9e: {  	v3 =	vadd.s32 $0x8000, v7;
	v2 =	vadd.s32 $0x8000, v6;
	v0 =	vor.u32 v0, v1;
	v1 =	vld [tilespmem:s31+$0x4450]  }
0x9f: {  	[tilespmem:s31+$0x10410] =	vst v0;
	v0 =	vshrl.u32 v2, $0x10;
	v2 =	vand.u32 $0xFFFF0000, v3;
	v3 =	vld [tilespmem:s31+$0x6450]  }
0xa0: {  	v4 =	vadd.s32 $0x8000, v8;
	v5 =	vadd.s32 $0x8000, v9;
	v0 =	vor.u32 v0, v2;
	v2 =	vld [tilespmem:s31+$0x4460]  }
0xa1: {  	s0 =	simm.s32 $0x80;
	v7 =	vadd.s32 $0x8000, v10;
	v6 =	vshrl.u32 v4, $0x10;
	v5 =	vand.u32 $0xFFFF0000, v5;
	v4 =	vld [tilespmem:s31+$0x6460];
	[tilespmem:s31+$0x10420] =	vst v0  }
0xa2: {  	s2 =	simm.s32 $0x400;
	v6 =	vor.u32 v6, v5;
	v5 =	vshrl.u32 v7, $0x10;
	v7 =	vadd.s32 $0x8000, v11;
	v0 =	vld [tilespmem:s0+$0x4470]  }
.LBB2_4:
0xa3: {  	p0 =	sne.s32 s2, $0x7E00;
	v8 =	vld [tilespmem:s0+$0x6470];
	[tilespmem:s31+$0x10430] =	vst v6;
	v6 =	vand.u32 $0xFFFF0000, v7;
	v1 =	vadd.s32 $0x8000, v1  }
0xa4: {  	v7 =	vld [tilespmem:s0+$0x4400];
	v5 =	vor.u32 v5, v6;
	v1 =	vshrl.u32 v1, $0x10;
	v3 =	vadd.s32 $0x8000, v3  }
0xa5: {  	v6 =	vld [tilespmem:s0+$0x6400];
	[tilespmem:s31+$0x10440] =	vst v5;
	v3 =	vand.u32 $0xFFFF0000, v3;
	v2 =	vadd.s32 $0x8000, v2  }
0xa6: {  	v5 =	vld [tilespmem:s0+$0x4410];
	v1 =	vor.u32 v1, v3;
	v2 =	vshrl.u32 v2, $0x10;
	v3 =	vadd.s32 $0x8000, v4  }
0xa7: {  	v4 =	vld [tilespmem:s0+$0x6410];
	[tilespmem:s31+$0x10450] =	vst v1;
	v1 =	vand.u32 $0xFFFF0000, v3  }
0xa8: {  	v0 =	vadd.s32 $0x8000, v0;
	v3 =	vld [tilespmem:s0+$0x4420];
	v8 =	vadd.s32 $0x8000, v8;
	v1 =	vor.u32 v2, v1  }
0xa9: {  	v0 =	vshrl.u32 v0, $0x10;
	v2 =	vadd.s32 $0x8000, v7;
	v7 =	vld [tilespmem:s0+$0x6420];
	v8 =	vand.u32 $0xFFFF0000, v8;
	[tilespmem:s31+$0x10460] =	vst v1;
	s31 =	smov.u32 s0  }
0xaa: {  	v1 =	vshrl.u32 v2, $0x10;
	v2 =	vadd.s32 $0x8000, v6;
	v6 =	vld [tilespmem:s31+$0x4430];
	v0 =	vor.u32 v0, v8  }
0xab: {  	v2 =	vand.u32 $0xFFFF0000, v2;
	v5 =	vadd.s32 $0x8000, v5;
	v8 =	vld [tilespmem:s31+$0x6430];
	[tilespmem:s31+$0x10470] =	vst v0  }
0xac: {  	v0 =	vor.u32 v1, v2;
	v1 =	vshrl.u32 v5, $0x10;
	v2 =	vadd.s32 $0x8000, v4;
	v4 =	vld [tilespmem:s31+$0x4440]  }
0xad: {  	[tilespmem:s31+$0x10400] =	vst v0;
	v0 =	vand.u32 $0xFFFF0000, v2;
	v2 =	vadd.s32 $0x8000, v3;
	v9 =	vld [tilespmem:s31+$0x6440]  }
.Ltmp1:
0xae: {  	v0 =	vor.u32 v1, v0;
	v2 =	vshrl.u32 v2, $0x10;
	v3 =	vadd.s32 $0x8000, v7;
	v1 =	vld [tilespmem:s31+$0x4450];
	(pc) =	sbr.rel @p0 .LBB2_4-.Ltmp1, $4  }
0xaf: {  	[tilespmem:s31+$0x10410] =	vst v0;
	v0 =	vand.u32 $0xFFFF0000, v3;
	v5 =	vadd.s32 $0x8000, v6;
	v3 =	vld [tilespmem:s31+$0x6450]  }
0xb0: {  	v0 =	vor.u32 v2, v0;
	v5 =	vshrl.u32 v5, $0x10;
	v6 =	vadd.s32 $0x8000, v8;
	v2 =	vld [tilespmem:s31+$0x4460]  }
0xb1: {  	s0 =	sshra.s32 s2, $0x2;
	[tilespmem:s31+$0x10420] =	vst v0;
	v6 =	vand.u32 $0xFFFF0000, v6;
	v7 =	vadd.s32 $0x8000, v4;
	v4 =	vld [tilespmem:s31+$0x6460]  }
0xb2: {  	s2 =	sadd.s32 $0x200, s2;
	v0 =	vld [tilespmem:s0+$0x4470];
	v6 =	vor.u32 v5, v6;
	v5 =	vshrl.u32 v7, $0x10;
	v7 =	vadd.s32 $0x8000, v9  }
0xb3: {  	v8 =	vld [tilespmem:s0+$0x6470];
	[tilespmem:s31+$0x10430] =	vst v6;
	v6 =	vand.u32 $0xFFFF0000, v7  }
0xb4: {  	v1 =	vadd.s32 $0x8000, v1;
	v7 =	vld [tilespmem:s0+$0x4400];
	v5 =	vor.u32 v5, v6;
	v3 =	vadd.s32 $0x8000, v3  }
0xb5: {  	v6 =	vld [tilespmem:s0+$0x6400];
	v1 =	vshrl.u32 v1, $0x10;
	[tilespmem:s31+$0x10440] =	vst v5;
	v3 =	vand.u32 $0xFFFF0000, v3  }
0xb6: {  	v2 =	vadd.s32 $0x8000, v2;
	v5 =	vld [tilespmem:s0+$0x4410];
	v1 =	vor.u32 v1, v3;
	v4 =	vadd.s32 $0x8000, v4  }
0xb7: {  	v3 =	vld [tilespmem:s0+$0x6410];
	[tilespmem:s31+$0x10450] =	vst v1;
	v1 =	vshrl.u32 v2, $0x10;
	v2 =	vand.u32 $0xFFFF0000, v4  }
0xb8: {  	v0 =	vadd.s32 $0x8000, v0;
	v4 =	vld [tilespmem:s0+$0x4420];
	v1 =	vor.u32 v1, v2  }
0xb9: {  	v2 =	vld [tilespmem:s0+$0x6420];
	v8 =	vadd.s32 $0x8000, v8;
	v0 =	vshrl.u32 v0, $0x10;
	[tilespmem:s31+$0x10460] =	vst v1  }
0xba: {  	v1 =	vand.u32 $0xFFFF0000, v8;
	v7 =	vadd.s32 $0x8000, v7;
	v6 =	vadd.s32 $0x8000, v6;
	v8 =	vld [tilespmem:s0+$0x4430]  }
0xbb: {  	v0 =	vor.u32 v0, v1;
	v1 =	vld [tilespmem:s0+$0x6430];
	v7 =	vshrl.u32 v7, $0x10;
	v6 =	vand.u32 $0xFFFF0000, v6  }
0xbc: {  	[tilespmem:s0+$0x10470] =	vst v0;
	v0 =	vor.u32 v7, v6;
	v6 =	vld [tilespmem:s0+$0x4440];
	v5 =	vadd.s32 $0x8000, v5;
	v3 =	vadd.s32 $0x8000, v3  }
0xbd: {  	v7 =	vld [tilespmem:s0+$0x6460];
	[tilespmem:s0+$0x10400] =	vst v0;
	v0 =	vshrl.u32 v5, $0x10;
	v3 =	vand.u32 $0xFFFF0000, v3  }
0xbe: {  	v5 =	vld [tilespmem:s0+$0x6440];
	v0 =	vor.u32 v0, v3;
	v4 =	vadd.s32 $0x8000, v4;
	v2 =	vadd.s32 $0x8000, v2  }
0xbf: {  	v3 =	vld [tilespmem:s0+$0x4450];
	[tilespmem:s0+$0x10410] =	vst v0;
	v0 =	vshrl.u32 v4, $0x10;
	v2 =	vand.u32 $0xFFFF0000, v2  }
0xc0: {  	v4 =	vld [tilespmem:s0+$0x6450];
	v0 =	vor.u32 v0, v2  }
0xc1: {  	v2 =	vld [tilespmem:s0+$0x4460];
	v1 =	vadd.s32 $0x8000, v1;
	[tilespmem:s0+$0x10420] =	vst v0;
	v0 =	vadd.s32 $0x8000, v8  }
0xc2: {  	v1 =	vand.u32 $0xFFFF0000, v1;
	v0 =	vshrl.u32 v0, $0x10  }
0xc3: {  	v6 =	vadd.s32 $0x8000, v6;
	v0 =	vor.u32 v0, v1;
	v1 =	vadd.s32 $0x8000, v5  }
0xc4: {  	v5 =	vshrl.u32 v6, $0x10;
	v3 =	vadd.s32 $0x8000, v3;
	v1 =	vand.u32 $0xFFFF0000, v1  }
0xc5: {  	v3 =	vshrl.u32 v3, $0x10;
	v4 =	vadd.s32 $0x8000, v4;
	v1 =	vor.u32 v5, v1  }
0xc6: {  	[tilespmem:s0+$0x10430] =	vst v0;
	v0 =	vand.u32 $0xFFFF0000, v4;
	v2 =	vadd.s32 $0x8000, v2;
	v4 =	vadd.s32 $0x8000, v7  }
0xc7: {  	[tilespmem:s0+$0x10440] =	vst v1;
	v0 =	vor.u32 v3, v0;
	v1 =	vshrl.u32 v2, $0x10;
	v2 =	vand.u32 $0xFFFF0000, v4  }
0xc8: {  	[tilespmem:s0+$0x10450] =	vst v0;
	v0 =	vor.u32 v1, v2  }
0xc9: {  	s2 =	simm.s32 $0x0;
	[tilespmem:s0+$0x10460] =	vst v0  }
0xca: {  	[hbm4b:s13+s2] =	stream.linear.scatter [tilespmem:s29], [sflag:$0x2], $0x2000, $0x38;
	[tilespmem:$0x12400] =	vst v63  }
0xcb: {  	_ =	swait.ge [sflag:s28], $0x2000  }
0xcc: {  	[sflag:s28] =	ssyncset.done $0x0  }
0xcd: {  	[sflag:s28] =	ssyncadd.s32 $0xFFFFE000  }
0xce: {  	_ =	swait.ge [sflag:s28], $0x2000  }
0xcf: {  	[sflag:s28] =	ssyncset.done $0x0  }
0xd0: {  	[sflag:s28] =	ssyncadd.s32 $0xFFFFE000  }
0xd1: {  	_ =	swait.ge [sflag:s24], $0x2000  }
0xd2: {  	[sflag:s24] =	ssyncset.done $0x0  }
0xd3: {  	s31 =	simm.s32 $0x0;
	[sflag:s24] =	ssyncadd.s32 $0xFFFFE000  }
0xd4: {  	v0 =	vld [tilespmem:s31+$0x8470]  }
0xd5: {  	v1 =	vld [tilespmem:s31+$0xA470]  }
0xd6: {  	v2 =	vld [tilespmem:s31+$0x8400]  }
0xd7: {  	v3 =	vld [tilespmem:s31+$0xA400]  }
0xd8: {  	v4 =	vld [tilespmem:s31+$0x8410]  }
0xd9: {  	v5 =	vld [tilespmem:s31+$0xA410]  }
0xda: {  	v6 =	vld [tilespmem:s31+$0x8420]  }
0xdb: {  	v7 =	vld [tilespmem:s31+$0xA420];
	v0 =	vadd.s32 $0x8000, v0;
	v1 =	vadd.s32 $0x8000, v1;
	v2 =	vadd.s32 $0x8000, v2  }
0xdc: {  	v8 =	vld [tilespmem:s31+$0x8430];
	v3 =	vadd.s32 $0x8000, v3;
	v0 =	vshrl.u32 v0, $0x10;
	v1 =	vand.u32 $0xFFFF0000, v1  }
0xdd: {  	v9 =	vld [tilespmem:s31+$0xA430];
	v0 =	vor.u32 v0, v1;
	v1 =	vshrl.u32 v2, $0x10;
	v2 =	vand.u32 $0xFFFF0000, v3  }
0xde: {  	v10 =	vld [tilespmem:s31+$0x8440];
	[tilespmem:s31+$0x10470] =	vst v0;
	v0 =	vor.u32 v1, v2;
	v1 =	vadd.s32 $0x8000, v4;
	v2 =	vadd.s32 $0x8000, v5  }
0xdf: {  	v11 =	vld [tilespmem:s31+$0xA440];
	[tilespmem:s31+$0x10400] =	vst v0;
	v0 =	vshrl.u32 v1, $0x10;
	v1 =	vand.u32 $0xFFFF0000, v2  }
0xe0: {  	v3 =	vadd.s32 $0x8000, v7;
	v2 =	vadd.s32 $0x8000, v6;
	v0 =	vor.u32 v0, v1;
	v1 =	vld [tilespmem:s31+$0x8450]  }
0xe1: {  	[tilespmem:s31+$0x10410] =	vst v0;
	v0 =	vshrl.u32 v2, $0x10;
	v2 =	vand.u32 $0xFFFF0000, v3;
	v3 =	vld [tilespmem:s31+$0xA450]  }
0xe2: {  	v4 =	vadd.s32 $0x8000, v8;
	v5 =	vadd.s32 $0x8000, v9;
	v0 =	vor.u32 v0, v2;
	v2 =	vld [tilespmem:s31+$0x8460]  }
0xe3: {  	s0 =	simm.s32 $0x80;
	v7 =	vadd.s32 $0x8000, v10;
	v6 =	vshrl.u32 v4, $0x10;
	v5 =	vand.u32 $0xFFFF0000, v5;
	v4 =	vld [tilespmem:s31+$0xA460];
	[tilespmem:s31+$0x10420] =	vst v0  }
0xe4: {  	s2 =	simm.s32 $0x400;
	v6 =	vor.u32 v6, v5;
	v5 =	vshrl.u32 v7, $0x10;
	v7 =	vadd.s32 $0x8000, v11;
	v0 =	vld [tilespmem:s0+$0x8470]  }
.LBB2_6:
0xe5: {  	p0 =	sne.s32 s2, $0x7E00;
	v8 =	vld [tilespmem:s0+$0xA470];
	[tilespmem:s31+$0x10430] =	vst v6;
	v6 =	vand.u32 $0xFFFF0000, v7;
	v1 =	vadd.s32 $0x8000, v1  }
0xe6: {  	v7 =	vld [tilespmem:s0+$0x8400];
	v5 =	vor.u32 v5, v6;
	v1 =	vshrl.u32 v1, $0x10;
	v3 =	vadd.s32 $0x8000, v3  }
0xe7: {  	v6 =	vld [tilespmem:s0+$0xA400];
	[tilespmem:s31+$0x10440] =	vst v5;
	v3 =	vand.u32 $0xFFFF0000, v3;
	v2 =	vadd.s32 $0x8000, v2  }
0xe8: {  	v5 =	vld [tilespmem:s0+$0x8410];
	v1 =	vor.u32 v1, v3;
	v2 =	vshrl.u32 v2, $0x10;
	v3 =	vadd.s32 $0x8000, v4  }
0xe9: {  	v4 =	vld [tilespmem:s0+$0xA410];
	[tilespmem:s31+$0x10450] =	vst v1;
	v1 =	vand.u32 $0xFFFF0000, v3  }
0xea: {  	v0 =	vadd.s32 $0x8000, v0;
	v3 =	vld [tilespmem:s0+$0x8420];
	v8 =	vadd.s32 $0x8000, v8;
	v1 =	vor.u32 v2, v1  }
0xeb: {  	v0 =	vshrl.u32 v0, $0x10;
	v2 =	vadd.s32 $0x8000, v7;
	v7 =	vld [tilespmem:s0+$0xA420];
	v8 =	vand.u32 $0xFFFF0000, v8;
	[tilespmem:s31+$0x10460] =	vst v1;
	s31 =	smov.u32 s0  }
0xec: {  	v1 =	vshrl.u32 v2, $0x10;
	v2 =	vadd.s32 $0x8000, v6;
	v6 =	vld [tilespmem:s31+$0x8430];
	v0 =	vor.u32 v0, v8  }
0xed: {  	v2 =	vand.u32 $0xFFFF0000, v2;
	v5 =	vadd.s32 $0x8000, v5;
	v8 =	vld [tilespmem:s31+$0xA430];
	[tilespmem:s31+$0x10470] =	vst v0  }
0xee: {  	v0 =	vor.u32 v1, v2;
	v1 =	vshrl.u32 v5, $0x10;
	v2 =	vadd.s32 $0x8000, v4;
	v4 =	vld [tilespmem:s31+$0x8440]  }
0xef: {  	[tilespmem:s31+$0x10400] =	vst v0;
	v0 =	vand.u32 $0xFFFF0000, v2;
	v2 =	vadd.s32 $0x8000, v3;
	v9 =	vld [tilespmem:s31+$0xA440]  }
.Ltmp2:
0xf0: {  	v0 =	vor.u32 v1, v0;
	v2 =	vshrl.u32 v2, $0x10;
	v3 =	vadd.s32 $0x8000, v7;
	v1 =	vld [tilespmem:s31+$0x8450];
	(pc) =	sbr.rel @p0 .LBB2_6-.Ltmp2, $4  }
0xf1: {  	[tilespmem:s31+$0x10410] =	vst v0;
	v0 =	vand.u32 $0xFFFF0000, v3;
	v5 =	vadd.s32 $0x8000, v6;
	v3 =	vld [tilespmem:s31+$0xA450]  }
0xf2: {  	v0 =	vor.u32 v2, v0;
	v5 =	vshrl.u32 v5, $0x10;
	v6 =	vadd.s32 $0x8000, v8;
	v2 =	vld [tilespmem:s31+$0x8460]  }
0xf3: {  	s0 =	sshra.s32 s2, $0x2;
	[tilespmem:s31+$0x10420] =	vst v0;
	v6 =	vand.u32 $0xFFFF0000, v6;
	v7 =	vadd.s32 $0x8000, v4;
	v4 =	vld [tilespmem:s31+$0xA460]  }
0xf4: {  	s2 =	sadd.s32 $0x200, s2;
	v0 =	vld [tilespmem:s0+$0x8470];
	v6 =	vor.u32 v5, v6;
	v5 =	vshrl.u32 v7, $0x10;
	v7 =	vadd.s32 $0x8000, v9  }
0xf5: {  	v8 =	vld [tilespmem:s0+$0xA470];
	[tilespmem:s31+$0x10430] =	vst v6;
	v6 =	vand.u32 $0xFFFF0000, v7  }
0xf6: {  	v1 =	vadd.s32 $0x8000, v1;
	v7 =	vld [tilespmem:s0+$0x8400];
	v5 =	vor.u32 v5, v6;
	v3 =	vadd.s32 $0x8000, v3  }
0xf7: {  	v6 =	vld [tilespmem:s0+$0xA400];
	v1 =	vshrl.u32 v1, $0x10;
	[tilespmem:s31+$0x10440] =	vst v5;
	v3 =	vand.u32 $0xFFFF0000, v3  }
0xf8: {  	v2 =	vadd.s32 $0x8000, v2;
	v5 =	vld [tilespmem:s0+$0x8410];
	v1 =	vor.u32 v1, v3;
	v4 =	vadd.s32 $0x8000, v4  }
0xf9: {  	v3 =	vld [tilespmem:s0+$0xA410];
	[tilespmem:s31+$0x10450] =	vst v1;
	v1 =	vshrl.u32 v2, $0x10;
	v2 =	vand.u32 $0xFFFF0000, v4  }
0xfa: {  	v0 =	vadd.s32 $0x8000, v0;
	v4 =	vld [tilespmem:s0+$0x8420];
	v1 =	vor.u32 v1, v2  }
0xfb: {  	v2 =	vld [tilespmem:s0+$0xA420];
	v8 =	vadd.s32 $0x8000, v8;
	v0 =	vshrl.u32 v0, $0x10;
	[tilespmem:s31+$0x10460] =	vst v1  }
0xfc: {  	v1 =	vand.u32 $0xFFFF0000, v8;
	v7 =	vadd.s32 $0x8000, v7;
	v6 =	vadd.s32 $0x8000, v6;
	v8 =	vld [tilespmem:s0+$0x8430]  }
0xfd: {  	v0 =	vor.u32 v0, v1;
	v1 =	vld [tilespmem:s0+$0xA430];
	v7 =	vshrl.u32 v7, $0x10;
	v6 =	vand.u32 $0xFFFF0000, v6  }
0xfe: {  	[tilespmem:s0+$0x10470] =	vst v0;
	v0 =	vor.u32 v7, v6;
	v6 =	vld [tilespmem:s0+$0x8440];
	v5 =	vadd.s32 $0x8000, v5;
	v3 =	vadd.s32 $0x8000, v3  }
0xff: {  	v7 =	vld [tilespmem:s0+$0xA460];
	[tilespmem:s0+$0x10400] =	vst v0;
	v0 =	vshrl.u32 v5, $0x10;
	v3 =	vand.u32 $0xFFFF0000, v3  }
0x100: {  	v5 =	vld [tilespmem:s0+$0xA440];
	v0 =	vor.u32 v0, v3;
	v4 =	vadd.s32 $0x8000, v4;
	v2 =	vadd.s32 $0x8000, v2  }
0x101: {  	v3 =	vld [tilespmem:s0+$0x8450];
	[tilespmem:s0+$0x10410] =	vst v0;
	v0 =	vshrl.u32 v4, $0x10;
	v2 =	vand.u32 $0xFFFF0000, v2  }
0x102: {  	v4 =	vld [tilespmem:s0+$0xA450];
	v0 =	vor.u32 v0, v2  }
0x103: {  	v2 =	vld [tilespmem:s0+$0x8460];
	v1 =	vadd.s32 $0x8000, v1;
	[tilespmem:s0+$0x10420] =	vst v0;
	v0 =	vadd.s32 $0x8000, v8  }
0x104: {  	v1 =	vand.u32 $0xFFFF0000, v1;
	v0 =	vshrl.u32 v0, $0x10  }
0x105: {  	v6 =	vadd.s32 $0x8000, v6;
	v0 =	vor.u32 v0, v1;
	v1 =	vadd.s32 $0x8000, v5  }
0x106: {  	v5 =	vshrl.u32 v6, $0x10;
	v3 =	vadd.s32 $0x8000, v3;
	v1 =	vand.u32 $0xFFFF0000, v1  }
0x107: {  	v3 =	vshrl.u32 v3, $0x10;
	v4 =	vadd.s32 $0x8000, v4;
	v1 =	vor.u32 v5, v1  }
0x108: {  	[tilespmem:s0+$0x10430] =	vst v0;
	v0 =	vand.u32 $0xFFFF0000, v4;
	v2 =	vadd.s32 $0x8000, v2;
	v4 =	vadd.s32 $0x8000, v7  }
0x109: {  	[tilespmem:s0+$0x10440] =	vst v1;
	v0 =	vor.u32 v3, v0;
	v1 =	vshrl.u32 v2, $0x10;
	v2 =	vand.u32 $0xFFFF0000, v4  }
0x10a: {  	[tilespmem:s0+$0x10450] =	vst v0;
	v0 =	vor.u32 v1, v2  }
0x10b: {  	s2 =	simm.s32 $0x0;
	[tilespmem:s0+$0x10460] =	vst v0  }
0x10c: {  	[hbm4b:s14+s2] =	stream.linear.scatter [tilespmem:s29], [sflag:$0x2], $0x2000, $0x38;
	[tilespmem:$0x12400] =	vst v63  }
0x10d: {  	_ =	swait.ge [sflag:s28], $0x2000  }
0x10e: {  	[sflag:s28] =	ssyncset.done $0x0  }
0x10f: {  	[sflag:s28] =	ssyncadd.s32 $0xFFFFE000  }
0x110: {  	_ =	swait.ge [sflag:s28], $0x2000  }
0x111: {  	[sflag:s28] =	ssyncset.done $0x0  }
0x112: {  	[sflag:s28] =	ssyncadd.s32 $0xFFFFE000  }
0x113: {  	_ =	swait.ge [sflag:s24], $0x2000  }
0x114: {  	[sflag:s24] =	ssyncset.done $0x0  }
0x115: {  	s31 =	simm.s32 $0x0;
	[sflag:s24] =	ssyncadd.s32 $0xFFFFE000  }
0x116: {  	v0 =	vld [tilespmem:s31+$0xC470]  }
0x117: {  	v1 =	vld [tilespmem:s31+$0xE470]  }
0x118: {  	v2 =	vld [tilespmem:s31+$0xC400]  }
0x119: {  	v3 =	vld [tilespmem:s31+$0xE400]  }
0x11a: {  	v4 =	vld [tilespmem:s31+$0xC410]  }
0x11b: {  	v5 =	vld [tilespmem:s31+$0xE410]  }
0x11c: {  	v6 =	vld [tilespmem:s31+$0xC420]  }
0x11d: {  	v7 =	vld [tilespmem:s31+$0xE420];
	v0 =	vadd.s32 $0x8000, v0;
	v1 =	vadd.s32 $0x8000, v1;
	v2 =	vadd.s32 $0x8000, v2  }
0x11e: {  	v8 =	vld [tilespmem:s31+$0xC430];
	v3 =	vadd.s32 $0x8000, v3;
	v0 =	vshrl.u32 v0, $0x10;
	v1 =	vand.u32 $0xFFFF0000, v1  }
0x11f: {  	v9 =	vld [tilespmem:s31+$0xE430];
	v0 =	vor.u32 v0, v1;
	v1 =	vshrl.u32 v2, $0x10;
	v2 =	vand.u32 $0xFFFF0000, v3  }
0x120: {  	v10 =	vld [tilespmem:s31+$0xC440];
	[tilespmem:s31+$0x10470] =	vst v0;
	v0 =	vor.u32 v1, v2;
	v1 =	vadd.s32 $0x8000, v4;
	v2 =	vadd.s32 $0x8000, v5  }
0x121: {  	v11 =	vld [tilespmem:s31+$0xE440];
	[tilespmem:s31+$0x10400] =	vst v0;
	v0 =	vshrl.u32 v1, $0x10;
	v1 =	vand.u32 $0xFFFF0000, v2  }
0x122: {  	v3 =	vadd.s32 $0x8000, v7;
	v2 =	vadd.s32 $0x8000, v6;
	v0 =	vor.u32 v0, v1;
	v1 =	vld [tilespmem:s31+$0xC450]  }
0x123: {  	[tilespmem:s31+$0x10410] =	vst v0;
	v0 =	vshrl.u32 v2, $0x10;
	v2 =	vand.u32 $0xFFFF0000, v3;
	v3 =	vld [tilespmem:s31+$0xE450]  }
0x124: {  	v4 =	vadd.s32 $0x8000, v8;
	v5 =	vadd.s32 $0x8000, v9;
	v0 =	vor.u32 v0, v2;
	v2 =	vld [tilespmem:s31+$0xC460]  }
0x125: {  	s0 =	simm.s32 $0x80;
	v7 =	vadd.s32 $0x8000, v10;
	v6 =	vshrl.u32 v4, $0x10;
	v5 =	vand.u32 $0xFFFF0000, v5;
	v4 =	vld [tilespmem:s31+$0xE460];
	[tilespmem:s31+$0x10420] =	vst v0  }
0x126: {  	s2 =	simm.s32 $0x400;
	v6 =	vor.u32 v6, v5;
	v5 =	vshrl.u32 v7, $0x10;
	v7 =	vadd.s32 $0x8000, v11;
	v0 =	vld [tilespmem:s0+$0xC470]  }
.LBB2_8:
0x127: {  	p0 =	sne.s32 s2, $0x7E00;
	v8 =	vld [tilespmem:s0+$0xE470];
	[tilespmem:s31+$0x10430] =	vst v6;
	v6 =	vand.u32 $0xFFFF0000, v7;
	v1 =	vadd.s32 $0x8000, v1  }
0x128: {  	v7 =	vld [tilespmem:s0+$0xC400];
	v5 =	vor.u32 v5, v6;
	v1 =	vshrl.u32 v1, $0x10;
	v3 =	vadd.s32 $0x8000, v3  }
0x129: {  	v6 =	vld [tilespmem:s0+$0xE400];
	[tilespmem:s31+$0x10440] =	vst v5;
	v3 =	vand.u32 $0xFFFF0000, v3;
	v2 =	vadd.s32 $0x8000, v2  }
0x12a: {  	v5 =	vld [tilespmem:s0+$0xC410];
	v1 =	vor.u32 v1, v3;
	v2 =	vshrl.u32 v2, $0x10;
	v3 =	vadd.s32 $0x8000, v4  }
0x12b: {  	v4 =	vld [tilespmem:s0+$0xE410];
	[tilespmem:s31+$0x10450] =	vst v1;
	v1 =	vand.u32 $0xFFFF0000, v3  }
0x12c: {  	v0 =	vadd.s32 $0x8000, v0;
	v3 =	vld [tilespmem:s0+$0xC420];
	v8 =	vadd.s32 $0x8000, v8;
	v1 =	vor.u32 v2, v1  }
0x12d: {  	v0 =	vshrl.u32 v0, $0x10;
	v2 =	vadd.s32 $0x8000, v7;
	v7 =	vld [tilespmem:s0+$0xE420];
	v8 =	vand.u32 $0xFFFF0000, v8;
	[tilespmem:s31+$0x10460] =	vst v1;
	s31 =	smov.u32 s0  }
0x12e: {  	v1 =	vshrl.u32 v2, $0x10;
	v2 =	vadd.s32 $0x8000, v6;
	v6 =	vld [tilespmem:s31+$0xC430];
	v0 =	vor.u32 v0, v8  }
0x12f: {  	v2 =	vand.u32 $0xFFFF0000, v2;
	v5 =	vadd.s32 $0x8000, v5;
	v8 =	vld [tilespmem:s31+$0xE430];
	[tilespmem:s31+$0x10470] =	vst v0  }
0x130: {  	v0 =	vor.u32 v1, v2;
	v1 =	vshrl.u32 v5, $0x10;
	v2 =	vadd.s32 $0x8000, v4;
	v4 =	vld [tilespmem:s31+$0xC440]  }
0x131: {  	[tilespmem:s31+$0x10400] =	vst v0;
	v0 =	vand.u32 $0xFFFF0000, v2;
	v2 =	vadd.s32 $0x8000, v3;
	v9 =	vld [tilespmem:s31+$0xE440]  }
.Ltmp3:
0x132: {  	v0 =	vor.u32 v1, v0;
	v2 =	vshrl.u32 v2, $0x10;
	v3 =	vadd.s32 $0x8000, v7;
	v1 =	vld [tilespmem:s31+$0xC450];
	(pc) =	sbr.rel @p0 .LBB2_8-.Ltmp3, $4  }
0x133: {  	[tilespmem:s31+$0x10410] =	vst v0;
	v0 =	vand.u32 $0xFFFF0000, v3;
	v5 =	vadd.s32 $0x8000, v6;
	v3 =	vld [tilespmem:s31+$0xE450]  }
0x134: {  	v0 =	vor.u32 v2, v0;
	v5 =	vshrl.u32 v5, $0x10;
	v6 =	vadd.s32 $0x8000, v8;
	v2 =	vld [tilespmem:s31+$0xC460]  }
0x135: {  	s0 =	sshra.s32 s2, $0x2;
	[tilespmem:s31+$0x10420] =	vst v0;
	v6 =	vand.u32 $0xFFFF0000, v6;
	v7 =	vadd.s32 $0x8000, v4;
	v4 =	vld [tilespmem:s31+$0xE460]  }
0x136: {  	s2 =	sadd.s32 $0x200, s2;
	v0 =	vld [tilespmem:s0+$0xC470];
	v6 =	vor.u32 v5, v6;
	v5 =	vshrl.u32 v7, $0x10;
	v7 =	vadd.s32 $0x8000, v9  }
0x137: {  	v8 =	vld [tilespmem:s0+$0xE470];
	[tilespmem:s31+$0x10430] =	vst v6;
	v36 =	vand.u32 $0xFFFF0000, v7  }
0x138: {  	v1 =	vadd.s32 $0x8000, v1;
	v37 =	vld [tilespmem:s0+$0xC400];
	v5 =	vor.u32 v5, v36;
	v3 =	vadd.s32 $0x8000, v3  }
0x139: {  	v38 =	vld [tilespmem:s0+$0xE400];
	v1 =	vshrl.u32 v1, $0x10;
	[tilespmem:s31+$0x10440] =	vst v5;
	v3 =	vand.u32 $0xFFFF0000, v3  }
0x13a: {  	v2 =	vadd.s32 $0x8000, v2;
	v5 =	vld [tilespmem:s0+$0xC410];
	v1 =	vor.u32 v1, v3;
	v4 =	vadd.s32 $0x8000, v4  }
0x13b: {  	v39 =	vld [tilespmem:s0+$0xE410];
	v40 =	vshrl.u32 v2, $0x10;
	[tilespmem:s31+$0x10450] =	vst v1;
	v41 =	vand.u32 $0xFFFF0000, v4  }
0x13c: {  	v42 =	vld [tilespmem:s0+$0xC420];
	v1 =	vor.u32 v40, v41  }
0x13d: {  	v43 =	vld [tilespmem:s0+$0xE420];
	[tilespmem:s31+$0x10460] =	vst v1  }
0x13e: {  	v45 =	vld [tilespmem:s0+$0xC430]  }
0x13f: {  	v46 =	vld [tilespmem:s0+$0xE430]  }
0x140: {  	v0 =	vadd.s32 $0x8000, v0;
	v48 =	vld [tilespmem:s0+$0xC440]  }
0x141: {  	v8 =	vadd.s32 $0x8000, v8;
	v0 =	vshrl.u32 v0, $0x10;
	v50 =	vld [tilespmem:s0+$0xE440]  }
0x142: {  	v44 =	vand.u32 $0xFFFF0000, v8;
	v7 =	vadd.s32 $0x8000, v37;
	v6 =	vadd.s32 $0x8000, v38;
	v51 =	vld [tilespmem:s0+$0xC450]  }
0x143: {  	v0 =	vor.u32 v0, v44;
	v7 =	vshrl.u32 v7, $0x10;
	v53 =	vld [tilespmem:s0+$0xE450];
	v5 =	vadd.s32 $0x8000, v5  }
0x144: {  	v6 =	vand.u32 $0xFFFF0000, v6;
	v54 =	vld [tilespmem:s0+$0xC460];
	v3 =	vadd.s32 $0x8000, v39;
	v49 =	vshrl.u32 v5, $0x10  }
0x145: {  	v56 =	vld [tilespmem:s0+$0xE460];
	v3 =	vand.u32 $0xFFFF0000, v3;
	v4 =	vadd.s32 $0x8000, v42;
	v2 =	vadd.s32 $0x8000, v43  }
0x146: {  	[tilespmem:s0+$0x10470] =	vst v0;
	v0 =	vor.u32 v49, v3;
	v52 =	vshrl.u32 v4, $0x10;
	v2 =	vand.u32 $0xFFFF0000, v2  }
0x147: {  	v47 =	vor.u32 v7, v6;
	[tilespmem:s0+$0x10410] =	vst v0;
	v0 =	vor.u32 v52, v2;
	v55 =	vadd.s32 $0x8000, v45  }
0x148: {  	v1 =	vadd.s32 $0x8000, v46;
	v6 =	vadd.s32 $0x8000, v48;
	v57 =	vadd.s32 $0x8000, v50  }
0x149: {  	v3 =	vadd.s32 $0x8000, v51;
	v4 =	vadd.s32 $0x8000, v53;
	v2 =	vadd.s32 $0x8000, v54  }
0x14a: {  	v60 =	vadd.s32 $0x8000, v56;
	[tilespmem:s0+$0x10420] =	vst v0;
	v0 =	vshrl.u32 v55, $0x10;
	v1 =	vand.u32 $0xFFFF0000, v1  }
0x14b: {  	[tilespmem:s0+$0x10400] =	vst v47;
	v61 =	vshrl.u32 v2, $0x10;
	v62 =	vand.u32 $0xFFFF0000, v60;
	v0 =	vor.u32 v0, v1  }
0x14c: {  	v58 =	vshrl.u32 v6, $0x10;
	v1 =	vand.u32 $0xFFFF0000, v57;
	v63 =	vor.u32 v61, v62;
	[tilespmem:s0+$0x10430] =	vst v0  }
0x14d: {  	s30 =	sadd.s32 $0x1, s30;
	v3 =	vshrl.u32 v3, $0x10;
	v59 =	vand.u32 $0xFFFF0000, v4;
	v1 =	vor.u32 v58, v1;
	[tilespmem:s0+$0x10460] =	vst v63  }
0x14e: {  	p0 =	sne.s32 s30, s16;
	v0 =	vor.u32 v3, v59;
	[tilespmem:s0+$0x10440] =	vst v1  }
.Ltmp4:
0x14f: {  	[tilespmem:s0+$0x10450] =	vst v0;
	(pc) =	sbr.rel @p0 .LBB2_1-.Ltmp4, $4  }
0x150: {  	[hbm4b:s15+s3] =	stream.linear.scatter [tilespmem:s29], [sflag:$0x2], $0x2000, $0x38;
	[tilespmem:$0x12400] =	vst v63  }
0x151: {  	_ =	swait.ge [sflag:s24], $0x2000  }
0x152: {  	[sflag:s24] =	ssyncset.done $0x0  }
0x153: {  	[sflag:s24] =	ssyncadd.s32 $0xFFFFE000  }
0x154: {  	_ =	sfence.sel $0x180000  }
0x155: {  	[bflag:$0x0] =	sbarrier.arrive $0xFFFF  }
0x156: {  	_ =	strace $0x90000047  }
0x157: {  	s0 =	stileid.u32;
	[bflag:$0x2] =	sbarrier.arrive $0xFFFF  }
0x158: {  	p0 =	sne.s32 s0, $0x0;
	s0 =	rddreg [dreg:$0x3]  }
0x159: {  	s0 =	sadd.s32 @!p0 $0x100000, s0  }
0x15a: {  	[sflag:s0] =	ssyncadd.tile.s32 @!p0 $0x1;
	_ =	shalt  }
.Lfunc_end2:
_tile_overlayer_lowered:
.L_overlay_start_2:
0x15b: {  	(tag) =	ssettag $0x2  }
0x15c: {  	s0 =	rddreg [dreg:$0x0];
	s2 =	stileid.u32  }
0x15d: {  	s1 =	rddreg [dreg:$0x1];
	p0 =	sne.s32 s2, $0x0  }
0x15e: {  	s3 =	rddreg [dreg:$0x2];
	[bflag:$0x3] =	sbarrier.arrive $0xFFFF;
	s2 =	simm.s32 @!p0 $0x1C03  }
0x15f: {  	[timem:s3], [sflag:s2] =	dma.local @!p0 [hbm:s0], s1  }
0x160: {  	s0 =	simm.s32 @!p0 $0x3  }
0x161: {  	_ =	swait.ge @!p0 [sflag:s0], s1  }
0x162: {  	s1 =	ssub.s32 @!p0 $0x0, s1;
	[sflag:s0] =	ssyncset.done @!p0 $0x0  }
0x163: {  	[sflag:s0] =	ssyncadd.s32 @!p0 s1  }
0x164: {  	[bflag:$0x3] =	sbarrier.arrive $0xFFFF  }
0x165: {  	_ =	shalt  }

</sc_bundles>
